<compile_context>
chip_gen: v7x
topology: tpu7x:2x2x1
jax: 0.10.2.dev20260603
libtpu: 0.0.44.dev20260713+nightly
codegen_flags: <defaults>
</compile_context>

<pallas_src>
import functools

import jax
import jax.numpy as jnp
from jax import lax
from jax.experimental import pallas as pl
from jax.experimental.pallas import tpu as pltpu
from jax.experimental.pallas import tpu_sc as plsc

N = 10000
E = 320000
NFEAT = 128
NHID = 128
NCLASS = 64

NC = 2
NS = 16
NW = NC * NS
BATCH = 128
NB = 80
CHUNK = 8
EPAD = NW * NB * BATCH
NACC = N + 240
ROWS_PER_TILE = NACC // NS

_MESH = plsc.VectorSubcoreMesh(core_axis_name="c", subcore_axis_name="s")




def _seg_sum_cnt(table, srcs, dsts, zfeat, zcnt, ones16):

    @functools.partial(
        pl.kernel,
        out_type=[
            jax.ShapeDtypeStruct((NC, NACC, NFEAT), jnp.float32),
            jax.ShapeDtypeStruct((NC, NACC, 8), jnp.float32),
        ],
        mesh=_MESH,
        compiler_params=pltpu.CompilerParams(use_tc_tiling_on_sc=False),
        scratch_types=[
            pltpu.VMEM((CHUNK, BATCH), jnp.int32),
            pltpu.VMEM((CHUNK, BATCH), jnp.int32),
            pltpu.VMEM((BATCH, NFEAT), jnp.float32),
            pltpu.VMEM((BATCH, 8), jnp.float32),
            pltpu.VMEM_SHARED((NACC, NFEAT), jnp.float32),
            pltpu.VMEM_SHARED((NACC, 8), jnp.float32),
        ],
    )
    def k(table_hbm, src_hbm, dst_hbm, zf_hbm, zc_hbm, ones_hbm,
          osum_hbm, ocnt_hbm, src_v, dst_v, rows_v, ones_v, acc_s, acc_c):
        c = lax.axis_index("c")
        s = lax.axis_index("s")
        wid = s * NC + c
        pltpu.sync_copy(ones_hbm, ones_v)
        r0 = s * ROWS_PER_TILE
        sl = pl.ds(r0, ROWS_PER_TILE)
        pltpu.sync_copy(zf_hbm.at[sl], acc_s.at[sl])
        pltpu.sync_copy(zc_hbm.at[sl], acc_c.at[sl])
        plsc.subcore_barrier()

        def outer(ci, carry):
            pltpu.sync_copy(src_hbm.at[wid, pl.ds(ci * CHUNK, CHUNK)], src_v)
            pltpu.sync_copy(dst_hbm.at[wid, pl.ds(ci * CHUNK, CHUNK)], dst_v)

            def body(j, c2):
                pltpu.sync_copy(table_hbm.at[src_v.at[j]], rows_v)
                pltpu.sync_copy(rows_v, acc_s.at[dst_v.at[j]], add=True)
                pltpu.sync_copy(ones_v, acc_c.at[dst_v.at[j]], add=True)
                return c2

            lax.fori_loop(0, CHUNK, body, carry)
            return carry

        lax.fori_loop(0, NB // CHUNK, outer, 0)
        plsc.subcore_barrier()
        pltpu.sync_copy(acc_s.at[sl], osum_hbm.at[c, sl])
        pltpu.sync_copy(acc_c.at[sl], ocnt_hbm.at[c, sl])

    return k(table, srcs, dsts, zfeat, zcnt, ones16)


def _seg_sum64(table, srcs, dsts, z64):

    @functools.partial(
        pl.kernel,
        out_type=jax.ShapeDtypeStruct((NC, NACC, NCLASS), jnp.float32),
        mesh=_MESH,
        compiler_params=pltpu.CompilerParams(use_tc_tiling_on_sc=False),
        scratch_types=[
            pltpu.VMEM((CHUNK, BATCH), jnp.int32),
            pltpu.VMEM((CHUNK, BATCH), jnp.int32),
            pltpu.VMEM((BATCH, NCLASS), jnp.float32),
            pltpu.VMEM_SHARED((NACC, NCLASS), jnp.float32),
        ],
    )
    def k(table_hbm, src_hbm, dst_hbm, z_hbm, osum_hbm,
          src_v, dst_v, rows_v, acc_s):
        c = lax.axis_index("c")
        s = lax.axis_index("s")
        wid = s * NC + c
        r0 = s * ROWS_PER_TILE
        sl = pl.ds(r0, ROWS_PER_TILE)
        pltpu.sync_copy(z_hbm.at[sl], acc_s.at[sl])
        plsc.subcore_barrier()

        def outer(ci, carry):
            pltpu.sync_copy(src_hbm.at[wid, pl.ds(ci * CHUNK, CHUNK)], src_v)
            pltpu.sync_copy(dst_hbm.at[wid, pl.ds(ci * CHUNK, CHUNK)], dst_v)

            def body(j, c2):
                pltpu.sync_copy(table_hbm.at[src_v.at[j]], rows_v)
                pltpu.sync_copy(rows_v, acc_s.at[dst_v.at[j]], add=True)
                return c2

            lax.fori_loop(0, CHUNK, body, carry)
            return carry

        lax.fori_loop(0, NB // CHUNK, outer, 0)
        plsc.subcore_barrier()
        pltpu.sync_copy(acc_s.at[sl], osum_hbm.at[c, sl])

    return k(table, srcs, dsts, z64)



BM = 1000


def _tc1_body(x_ref, s0_ref, s1_ref, c0_ref, c1_ref, w1l_ref, b1_ref,
              w1r_ref, w2l_ref, h_ref, p_ref, cd_ref):
    summed = s0_ref[0] + s1_ref[0]
    cnt = c0_ref[0][:, :1] + c1_ref[0][:, :1]
    cnt = jnp.maximum(cnt, 1.0)
    mean = summed / cnt
    o = (jnp.dot(mean, w1l_ref[...], preferred_element_type=jnp.float32,
                 precision="highest")
         + jnp.dot(x_ref[...], w1r_ref[...], preferred_element_type=jnp.float32,
                   precision="highest")
         + b1_ref[...])
    nrm = jnp.sqrt(jnp.sum(o * o, axis=1, keepdims=True))
    o = o / jnp.maximum(nrm, 1e-12)
    h = jnp.maximum(o, 0.0)
    h_ref[...] = h
    p_ref[...] = jnp.dot(h, w2l_ref[...], preferred_element_type=jnp.float32,
                         precision="highest")
    cd_ref[...] = cnt


def _tc_layer1(x, sums, cnts, W1l, b1, W1r, W2l):
    grid = (N // BM,)
    return pl.pallas_call(
        _tc1_body,
        grid=grid,
        in_specs=[
            pl.BlockSpec((BM, NFEAT), lambda i: (i, 0)),
            pl.BlockSpec((1, BM, NFEAT), lambda i: (0, i, 0)),
            pl.BlockSpec((1, BM, NFEAT), lambda i: (1, i, 0)),
            pl.BlockSpec((1, BM, 8), lambda i: (0, i, 0)),
            pl.BlockSpec((1, BM, 8), lambda i: (1, i, 0)),
            pl.BlockSpec((NFEAT, NHID), lambda i: (0, 0)),
            pl.BlockSpec((1, NHID), lambda i: (0, 0)),
            pl.BlockSpec((NFEAT, NHID), lambda i: (0, 0)),
            pl.BlockSpec((NHID, NCLASS), lambda i: (0, 0)),
        ],
        out_specs=[
            pl.BlockSpec((BM, NHID), lambda i: (i, 0)),
            pl.BlockSpec((BM, NCLASS), lambda i: (i, 0)),
            pl.BlockSpec((BM, 1), lambda i: (i, 0)),
        ],
        out_shape=[
            jax.ShapeDtypeStruct((N, NHID), jnp.float32),
            jax.ShapeDtypeStruct((N, NCLASS), jnp.float32),
            jax.ShapeDtypeStruct((N, 1), jnp.float32),
        ],
    )(x, sums, sums, cnts, cnts, W1l, b1, W1r, W2l)


def _tc2_body(h_ref, s0_ref, s1_ref, cd_ref, w2r_ref, b2_ref, out_ref):
    sp = s0_ref[0] + s1_ref[0]
    mean = sp / cd_ref[...]
    o = (mean
         + jnp.dot(h_ref[...], w2r_ref[...], preferred_element_type=jnp.float32,
                   precision="highest")
         + b2_ref[...])
    nrm = jnp.sqrt(jnp.sum(o * o, axis=1, keepdims=True))
    o = o / jnp.maximum(nrm, 1e-12)
    m = jnp.max(o, axis=1, keepdims=True)
    lse = m + jnp.log(jnp.sum(jnp.exp(o - m), axis=1, keepdims=True))
    out_ref[...] = o - lse


def _tc_layer2(h, sums, cdiv, W2r, b2):
    grid = (N // BM,)
    return pl.pallas_call(
        _tc2_body,
        grid=grid,
        in_specs=[
            pl.BlockSpec((BM, NHID), lambda i: (i, 0)),
            pl.BlockSpec((1, BM, NCLASS), lambda i: (0, i, 0)),
            pl.BlockSpec((1, BM, NCLASS), lambda i: (1, i, 0)),
            pl.BlockSpec((BM, 1), lambda i: (i, 0)),
            pl.BlockSpec((NHID, NCLASS), lambda i: (0, 0)),
            pl.BlockSpec((1, NCLASS), lambda i: (0, 0)),
        ],
        out_specs=pl.BlockSpec((BM, NCLASS), lambda i: (i, 0)),
        out_shape=jax.ShapeDtypeStruct((N, NCLASS), jnp.float32),
    )(h, sums, sums, cdiv, W2r, b2)




def kernel(features, edge_index, W1l, b1, W1r, W2l, b2, W2r):
    src = edge_index[0]
    dst = edge_index[1]
    pad = EPAD - E
    srcp = jnp.concatenate([src, jnp.zeros((pad,), jnp.int32)])
    srcp = srcp.reshape(NW, NB, BATCH)
    dstp = jnp.concatenate([dst, jnp.full((pad,), N, jnp.int32)])
    dstp = dstp.reshape(NW, NB, BATCH)

    zfeat = jnp.zeros((NACC, NFEAT), jnp.float32)
    zcnt = jnp.zeros((NACC, 8), jnp.float32)
    z64 = jnp.zeros((NACC, NCLASS), jnp.float32)
    ones16 = jnp.ones((BATCH, 8), jnp.float32)

    sums1, cnts1 = _seg_sum_cnt(features, srcp, dstp, zfeat, zcnt, ones16)
    h, p, cdiv = _tc_layer1(features, sums1, cnts1, W1l,
                            b1.reshape(1, -1), W1r, W2l)
    sums2 = _seg_sum64(p, srcp, dstp, z64)
    return _tc_layer2(h, sums2, cdiv, W2r, b2.reshape(1, -1))

# --- scband reference (transcript-rebuilt; emitter-appended) ---
"""Pipeline reference for scband-geo-sageconv-31894427140226 (READ-ONLY COPY).

The authoritative reference and input builder live on the scoring server;
editing this copy changes nothing except your own understanding.
"""

import jax, jax.numpy as jnp
import numpy as np

N = 10000
E = 320000
NFEAT = 128
NHID = 128
NCLASS = 64


def setup_inputs(seed: int = 0) -> dict:
    key = jax.random.key(seed)
    ks = jax.random.split(key, 8)
    features = jax.random.normal(ks[0], (N, NFEAT), dtype=jnp.float32)
    edge_index = jax.random.randint(ks[1], (2, E), 0, N, dtype=jnp.int32)
    s1 = 1.0 / np.sqrt(NFEAT)
    s2 = 1.0 / np.sqrt(NHID)
    W1l = jax.random.normal(ks[2], (NFEAT, NHID), dtype=jnp.float32) * s1
    W1r = jax.random.normal(ks[3], (NFEAT, NHID), dtype=jnp.float32) * s1
    b1 = jnp.zeros((NHID,), dtype=jnp.float32)
    W2l = jax.random.normal(ks[4], (NHID, NCLASS), dtype=jnp.float32) * s2
    W2r = jax.random.normal(ks[5], (NHID, NCLASS), dtype=jnp.float32) * s2
    b2 = jnp.zeros((NCLASS,), dtype=jnp.float32)
    return {"features": features, "edge_index": edge_index,
            "W1l": W1l, "b1": b1, "W1r": W1r,
            "W2l": W2l, "b2": b2, "W2r": W2r}


def _l2_normalize(x):
    n = jnp.linalg.norm(x, axis=-1, keepdims=True)
    return x / jnp.maximum(n, 1e-12)


def _sage_conv(x, edge_index, Wl, bl, Wr):
    # PyG SAGEConv (aggr='mean', root_weight=True, normalize=True):
    # out = lin_l(mean_{j in N(i)} x_j) + lin_r(x_i); out = l2_normalize(out)
    src = edge_index[0]
    dst = edge_index[1]
    msgs = x[src]  # gather (SparseCore-friendly)
    summed = jax.ops.segment_sum(msgs, dst, num_segments=N)
    cnt = jax.ops.segment_sum(jnp.ones((edge_index.shape[1],), dtype=x.dtype), dst, num_segments=N)
    mean = summed / jnp.clip(cnt, 1.0)[:, None]
    out = mean @ Wl + bl + x @ Wr
    return _l2_normalize(out)


def reference(features, edge_index, W1l, b1, W1r, W2l, b2, W2r):
    h = jax.nn.relu(_sage_conv(features, edge_index, W1l, b1, W1r))
    # dropout in eval mode -> identity (deterministic reference)
    out = _sage_conv(h, edge_index, W2l, b2, W2r)
    return jax.nn.log_softmax(out, axis=1)

if __name__ == "__main__":
    import jax
    _d = setup_inputs()
    print(jax.jit(kernel)(*tuple(_d.values())))

</pallas_src>

<mosaic_0001>
#map = affine_map<(d0, d1) -> (0, 0)>
#map1 = affine_map<(d0, d1) -> (0, 0, 0)>
module attributes {stable_mosaic.version = 14 : i64} {
  func.func @k(%arg0: i32, %arg1: i32, %arg2: memref<10000x128xf32, #tpu.memory_space<hbm>>, %arg3: memref<32x80x128xi32, #tpu.memory_space<hbm>>, %arg4: memref<32x80x128xi32, #tpu.memory_space<hbm>>, %arg5: memref<10240x128xf32, #tpu.memory_space<hbm>>, %arg6: memref<10240x8xf32, #tpu.memory_space<hbm>>, %arg7: memref<128x8xf32, #tpu.memory_space<hbm>>, %arg8: memref<2x10240x128xf32, #tpu.memory_space<hbm>>, %arg9: memref<2x10240x8xf32, #tpu.memory_space<hbm>>, %arg10: memref<8x128xi32, #tpu.memory_space<vmem>>, %arg11: memref<8x128xi32, #tpu.memory_space<vmem>>, %arg12: memref<128x128xf32, #tpu.memory_space<vmem>>, %arg13: memref<128x8xf32, #tpu.memory_space<vmem>>, %arg14: memref<10240x128xf32, #tpu.memory_space<vmem_shared>>, %arg15: memref<10240x8xf32, #tpu.memory_space<vmem_shared>>) attributes {dimension_semantics = [#tpu.dimension_semantics<core_parallel>, #tpu.dimension_semantics<subcore_parallel>], iteration_bounds = array<i64: 2, 16>, scalar_prefetch = 0 : i64, scratch_operands = 6 : i64, tpu.core_type = #tpu.core_type<sc_vector_subcore>, window_params = [{transform_indices = #map}, {transform_indices = #map1}, {transform_indices = #map1}, {transform_indices = #map}, {transform_indices = #map}, {transform_indices = #map}, {transform_indices = #map1}, {transform_indices = #map1}]} {
    %mul3A = arith.constant 2 : i32
    %mul3A_0 = arith.muli %arg1, %mul3A : i32
    %add3A = arith.addi %mul3A_0, %arg0 : i32
    "tpu.region"() ({
      %run_scoped3A = tpu.sem_alloc : memref<!tpu.dma_semaphore, #tpu.memory_space<semaphore_mem>>
      tpu.enqueue_dma source(%arg7 : memref<128x8xf32, #tpu.memory_space<hbm>>) target(%arg13 : memref<128x8xf32, #tpu.memory_space<vmem>>) target_semaphore(%run_scoped3A : memref<!tpu.dma_semaphore, #tpu.memory_space<semaphore_mem>>)
      tpu.wait_dma2 semaphore(%run_scoped3A : memref<!tpu.dma_semaphore, #tpu.memory_space<semaphore_mem>>) src(%arg7 : memref<128x8xf32, #tpu.memory_space<hbm>>) dst(%arg13 : memref<128x8xf32, #tpu.memory_space<vmem>>)
      tpu.yield
    }) : () -> ()
    %mul3A_1 = arith.constant 640 : i32
    %mul3A_2 = arith.muli %arg1, %mul3A_1 : i32
    "tpu.region"() ({
      %run_scoped3A = tpu.sem_alloc : memref<!tpu.dma_semaphore, #tpu.memory_space<semaphore_mem>>
      %dma_start3A = arith.constant 0 : i32
      %dma_start3A_9 = tpu.memref_slice %arg14[%mul3A_2, %dma_start3A] : memref<10240x128xf32, #tpu.memory_space<vmem_shared>> -> memref<640x128xf32, #tpu.memory_space<vmem_shared>>
      %dma_start3A_10 = arith.constant 0 : i32
      %dma_start3A_11 = tpu.memref_slice %arg5[%mul3A_2, %dma_start3A_10] : memref<10240x128xf32, #tpu.memory_space<hbm>> -> memref<640x128xf32, #tpu.memory_space<hbm>>
      tpu.enqueue_dma source(%dma_start3A_11 : memref<640x128xf32, #tpu.memory_space<hbm>>) target(%dma_start3A_9 : memref<640x128xf32, #tpu.memory_space<vmem_shared>>) target_semaphore(%run_scoped3A : memref<!tpu.dma_semaphore, #tpu.memory_space<semaphore_mem>>)
      %dma_wait3A = arith.constant 0 : i32
      %dma_wait3A_12 = tpu.memref_slice %arg14[%mul3A_2, %dma_wait3A] : memref<10240x128xf32, #tpu.memory_space<vmem_shared>> -> memref<640x128xf32, #tpu.memory_space<vmem_shared>>
      %dma_wait3A_13 = arith.constant 0 : i32
      %dma_wait3A_14 = tpu.memref_slice %arg5[%mul3A_2, %dma_wait3A_13] : memref<10240x128xf32, #tpu.memory_space<hbm>> -> memref<640x128xf32, #tpu.memory_space<hbm>>
      tpu.wait_dma2 semaphore(%run_scoped3A : memref<!tpu.dma_semaphore, #tpu.memory_space<semaphore_mem>>) src(%dma_wait3A_14 : memref<640x128xf32, #tpu.memory_space<hbm>>) dst(%dma_wait3A_12 : memref<640x128xf32, #tpu.memory_space<vmem_shared>>)
      tpu.yield
    }) : () -> ()
    "tpu.region"() ({
      %run_scoped3A = tpu.sem_alloc : memref<!tpu.dma_semaphore, #tpu.memory_space<semaphore_mem>>
      %dma_start3A = arith.constant 0 : i32
      %dma_start3A_9 = tpu.memref_slice %arg15[%mul3A_2, %dma_start3A] : memref<10240x8xf32, #tpu.memory_space<vmem_shared>> -> memref<640x8xf32, #tpu.memory_space<vmem_shared>>
      %dma_start3A_10 = arith.constant 0 : i32
      %dma_start3A_11 = tpu.memref_slice %arg6[%mul3A_2, %dma_start3A_10] : memref<10240x8xf32, #tpu.memory_space<hbm>> -> memref<640x8xf32, #tpu.memory_space<hbm>>
      tpu.enqueue_dma source(%dma_start3A_11 : memref<640x8xf32, #tpu.memory_space<hbm>>) target(%dma_start3A_9 : memref<640x8xf32, #tpu.memory_space<vmem_shared>>) target_semaphore(%run_scoped3A : memref<!tpu.dma_semaphore, #tpu.memory_space<semaphore_mem>>)
      %dma_wait3A = arith.constant 0 : i32
      %dma_wait3A_12 = tpu.memref_slice %arg15[%mul3A_2, %dma_wait3A] : memref<10240x8xf32, #tpu.memory_space<vmem_shared>> -> memref<640x8xf32, #tpu.memory_space<vmem_shared>>
      %dma_wait3A_13 = arith.constant 0 : i32
      %dma_wait3A_14 = tpu.memref_slice %arg6[%mul3A_2, %dma_wait3A_13] : memref<10240x8xf32, #tpu.memory_space<hbm>> -> memref<640x8xf32, #tpu.memory_space<hbm>>
      tpu.wait_dma2 semaphore(%run_scoped3A : memref<!tpu.dma_semaphore, #tpu.memory_space<semaphore_mem>>) src(%dma_wait3A_14 : memref<640x8xf32, #tpu.memory_space<hbm>>) dst(%dma_wait3A_12 : memref<640x8xf32, #tpu.memory_space<vmem_shared>>)
      tpu.yield
    }) : () -> ()
    %barrier3A = arith.constant 0 : index
    tpu.barrier barrier_id(%barrier3A)
    %scan3A = arith.constant 0 : i32
    %scan3A_3 = arith.constant 0 : i32
    %scan3A_4 = arith.constant 10 : i32
    %scan3A_5 = arith.addi %scan3A_3, %scan3A_4 : i32
    %scan3A_6 = arith.constant 1 : i32
    scf.for %scan3A_9 = %scan3A_3 to %scan3A_5 step %scan3A_6  : i32 {
      %mul3A_10 = arith.constant 8 : i32
      %mul3A_11 = arith.muli %scan3A_9, %mul3A_10 : i32
      "tpu.region"() ({
        %run_scoped3A = tpu.sem_alloc : memref<!tpu.dma_semaphore, #tpu.memory_space<semaphore_mem>>
        %dma_start3A = arith.constant 0 : i32
        %dma_start3A_19 = tpu.memref_slice %arg3[%add3A, %mul3A_11, %dma_start3A] : memref<32x80x128xi32, #tpu.memory_space<hbm>> -> memref<1x8x128xi32, #tpu.memory_space<hbm>>
        %dma_start3A_20 = tpu.memref_squeeze %dma_start3A_19 : memref<1x8x128xi32, #tpu.memory_space<hbm>> -> memref<8x128xi32, #tpu.memory_space<hbm>>
        %dma_start3A_21 = arith.constant 0 : i32
        %dma_start3A_22 = tpu.memref_slice %arg3[%add3A, %mul3A_11, %dma_start3A_21] : memref<32x80x128xi32, #tpu.memory_space<hbm>> -> memref<1x8x128xi32, #tpu.memory_space<hbm>>
        %dma_start3A_23 = tpu.memref_squeeze %dma_start3A_22 : memref<1x8x128xi32, #tpu.memory_space<hbm>> -> memref<8x128xi32, #tpu.memory_space<hbm>>
        tpu.enqueue_dma source(%dma_start3A_23 : memref<8x128xi32, #tpu.memory_space<hbm>>) target(%arg10 : memref<8x128xi32, #tpu.memory_space<vmem>>) target_semaphore(%run_scoped3A : memref<!tpu.dma_semaphore, #tpu.memory_space<semaphore_mem>>)
        %dma_wait3A = arith.constant 0 : i32
        %dma_wait3A_24 = tpu.memref_slice %arg3[%add3A, %mul3A_11, %dma_wait3A] : memref<32x80x128xi32, #tpu.memory_space<hbm>> -> memref<1x8x128xi32, #tpu.memory_space<hbm>>
        %dma_wait3A_25 = tpu.memref_squeeze %dma_wait3A_24 : memref<1x8x128xi32, #tpu.memory_space<hbm>> -> memref<8x128xi32, #tpu.memory_space<hbm>>
        %dma_wait3A_26 = arith.constant 0 : i32
        %dma_wait3A_27 = tpu.memref_slice %arg3[%add3A, %mul3A_11, %dma_wait3A_26] : memref<32x80x128xi32, #tpu.memory_space<hbm>> -> memref<1x8x128xi32, #tpu.memory_space<hbm>>
        %dma_wait3A_28 = tpu.memref_squeeze %dma_wait3A_27 : memref<1x8x128xi32, #tpu.memory_space<hbm>> -> memref<8x128xi32, #tpu.memory_space<hbm>>
        tpu.wait_dma2 semaphore(%run_scoped3A : memref<!tpu.dma_semaphore, #tpu.memory_space<semaphore_mem>>) src(%dma_wait3A_28 : memref<8x128xi32, #tpu.memory_space<hbm>>) dst(%arg10 : memref<8x128xi32, #tpu.memory_space<vmem>>)
        tpu.yield
      }) : () -> ()
      %mul3A_12 = arith.constant 8 : i32
      %mul3A_13 = arith.muli %scan3A_9, %mul3A_12 : i32
      "tpu.region"() ({
        %run_scoped3A = tpu.sem_alloc : memref<!tpu.dma_semaphore, #tpu.memory_space<semaphore_mem>>
        %dma_start3A = arith.constant 0 : i32
        %dma_start3A_19 = tpu.memref_slice %arg4[%add3A, %mul3A_13, %dma_start3A] : memref<32x80x128xi32, #tpu.memory_space<hbm>> -> memref<1x8x128xi32, #tpu.memory_space<hbm>>
        %dma_start3A_20 = tpu.memref_squeeze %dma_start3A_19 : memref<1x8x128xi32, #tpu.memory_space<hbm>> -> memref<8x128xi32, #tpu.memory_space<hbm>>
        %dma_start3A_21 = arith.constant 0 : i32
        %dma_start3A_22 = tpu.memref_slice %arg4[%add3A, %mul3A_13, %dma_start3A_21] : memref<32x80x128xi32, #tpu.memory_space<hbm>> -> memref<1x8x128xi32, #tpu.memory_space<hbm>>
        %dma_start3A_23 = tpu.memref_squeeze %dma_start3A_22 : memref<1x8x128xi32, #tpu.memory_space<hbm>> -> memref<8x128xi32, #tpu.memory_space<hbm>>
        tpu.enqueue_dma source(%dma_start3A_23 : memref<8x128xi32, #tpu.memory_space<hbm>>) target(%arg11 : memref<8x128xi32, #tpu.memory_space<vmem>>) target_semaphore(%run_scoped3A : memref<!tpu.dma_semaphore, #tpu.memory_space<semaphore_mem>>)
        %dma_wait3A = arith.constant 0 : i32
        %dma_wait3A_24 = tpu.memref_slice %arg4[%add3A, %mul3A_13, %dma_wait3A] : memref<32x80x128xi32, #tpu.memory_space<hbm>> -> memref<1x8x128xi32, #tpu.memory_space<hbm>>
        %dma_wait3A_25 = tpu.memref_squeeze %dma_wait3A_24 : memref<1x8x128xi32, #tpu.memory_space<hbm>> -> memref<8x128xi32, #tpu.memory_space<hbm>>
        %dma_wait3A_26 = arith.constant 0 : i32
        %dma_wait3A_27 = tpu.memref_slice %arg4[%add3A, %mul3A_13, %dma_wait3A_26] : memref<32x80x128xi32, #tpu.memory_space<hbm>> -> memref<1x8x128xi32, #tpu.memory_space<hbm>>
        %dma_wait3A_28 = tpu.memref_squeeze %dma_wait3A_27 : memref<1x8x128xi32, #tpu.memory_space<hbm>> -> memref<8x128xi32, #tpu.memory_space<hbm>>
        tpu.wait_dma2 semaphore(%run_scoped3A : memref<!tpu.dma_semaphore, #tpu.memory_space<semaphore_mem>>) src(%dma_wait3A_28 : memref<8x128xi32, #tpu.memory_space<hbm>>) dst(%arg11 : memref<8x128xi32, #tpu.memory_space<vmem>>)
        tpu.yield
      }) : () -> ()
      %scan3A_14 = arith.constant 0 : i32
      %scan3A_15 = arith.constant 8 : i32
      %scan3A_16 = arith.addi %scan3A_14, %scan3A_15 : i32
      %scan3A_17 = arith.constant 1 : i32
      scf.for %scan3A_19 = %scan3A_14 to %scan3A_16 step %scan3A_17  : i32 {
        "tpu.region"() ({
          %run_scoped3A = tpu.sem_alloc : memref<!tpu.dma_semaphore, #tpu.memory_space<semaphore_mem>>
          %dma_start3A = arith.constant 0 : i32
          %dma_start3A_20 = tpu.memref_slice %arg10[%scan3A_19, %dma_start3A] : memref<8x128xi32, #tpu.memory_space<vmem>> -> memref<1x128xi32, #tpu.memory_space<vmem>>
          %dma_start3A_21 = tpu.memref_squeeze %dma_start3A_20 : memref<1x128xi32, #tpu.memory_space<vmem>> -> memref<128xi32, #tpu.memory_space<vmem>>
          %dma_start3A_22 = arith.constant 0 : i32
          %dma_start3A_23 = arith.constant 0 : i32
          %dma_start3A_24 = tpu.memref_slice %arg2[%dma_start3A_22, %dma_start3A_23] : memref<10000x128xf32, #tpu.memory_space<hbm>> -> memref<10000x128xf32, #tpu.memory_space<hbm>>
          tpu.enqueue_indirect_dma source(%dma_start3A_24 : memref<10000x128xf32, #tpu.memory_space<hbm>>) target(%arg12 : memref<128x128xf32, #tpu.memory_space<vmem>>) offsets(%dma_start3A_21 : memref<128xi32, #tpu.memory_space<vmem>>) semaphore(%run_scoped3A : memref<!tpu.dma_semaphore, #tpu.memory_space<semaphore_mem>>)
          %dma_wait3A = arith.constant 0 : i32
          %dma_wait3A_25 = tpu.memref_slice %arg10[%scan3A_19, %dma_wait3A] : memref<8x128xi32, #tpu.memory_space<vmem>> -> memref<1x128xi32, #tpu.memory_space<vmem>>
          %dma_wait3A_26 = tpu.memref_squeeze %dma_wait3A_25 : memref<1x128xi32, #tpu.memory_space<vmem>> -> memref<128xi32, #tpu.memory_space<vmem>>
          %dma_wait3A_27 = arith.constant 0 : i32
          %dma_wait3A_28 = arith.constant 0 : i32
          %dma_wait3A_29 = tpu.memref_slice %arg2[%dma_wait3A_27, %dma_wait3A_28] : memref<10000x128xf32, #tpu.memory_space<hbm>> -> memref<10000x128xf32, #tpu.memory_space<hbm>>
          tpu.wait_indirect_dma semaphore(%run_scoped3A : memref<!tpu.dma_semaphore, #tpu.memory_space<semaphore_mem>>) src(%dma_wait3A_29 : memref<10000x128xf32, #tpu.memory_space<hbm>>) dst(%arg12 : memref<128x128xf32, #tpu.memory_space<vmem>>)
          tpu.yield
        }) : () -> ()
        "tpu.region"() ({
          %run_scoped3A = tpu.sem_alloc : memref<!tpu.dma_semaphore, #tpu.memory_space<semaphore_mem>>
          %dma_start3A = arith.constant 0 : i32
          %dma_start3A_20 = tpu.memref_slice %arg11[%scan3A_19, %dma_start3A] : memref<8x128xi32, #tpu.memory_space<vmem>> -> memref<1x128xi32, #tpu.memory_space<vmem>>
          %dma_start3A_21 = tpu.memref_squeeze %dma_start3A_20 : memref<1x128xi32, #tpu.memory_space<vmem>> -> memref<128xi32, #tpu.memory_space<vmem>>
          %dma_start3A_22 = arith.constant 0 : i32
          %dma_start3A_23 = arith.constant 0 : i32
          %dma_start3A_24 = tpu.memref_slice %arg14[%dma_start3A_22, %dma_start3A_23] : memref<10240x128xf32, #tpu.memory_space<vmem_shared>> -> memref<10240x128xf32, #tpu.memory_space<vmem_shared>>
          tpu.enqueue_indirect_dma source(%arg12 : memref<128x128xf32, #tpu.memory_space<vmem>>) target(%dma_start3A_24 : memref<10240x128xf32, #tpu.memory_space<vmem_shared>>) offsets(%dma_start3A_21 : memref<128xi32, #tpu.memory_space<vmem>>) semaphore(%run_scoped3A : memref<!tpu.dma_semaphore, #tpu.memory_space<semaphore_mem>>) {add = true}
          %dma_wait3A = arith.constant 0 : i32
          %dma_wait3A_25 = tpu.memref_slice %arg11[%scan3A_19, %dma_wait3A] : memref<8x128xi32, #tpu.memory_space<vmem>> -> memref<1x128xi32, #tpu.memory_space<vmem>>
          %dma_wait3A_26 = tpu.memref_squeeze %dma_wait3A_25 : memref<1x128xi32, #tpu.memory_space<vmem>> -> memref<128xi32, #tpu.memory_space<vmem>>
          %dma_wait3A_27 = arith.constant 0 : i32
          %dma_wait3A_28 = arith.constant 0 : i32
          %dma_wait3A_29 = tpu.memref_slice %arg14[%dma_wait3A_27, %dma_wait3A_28] : memref<10240x128xf32, #tpu.memory_space<vmem_shared>> -> memref<10240x128xf32, #tpu.memory_space<vmem_shared>>
          tpu.wait_indirect_dma semaphore(%run_scoped3A : memref<!tpu.dma_semaphore, #tpu.memory_space<semaphore_mem>>) src(%arg12 : memref<128x128xf32, #tpu.memory_space<vmem>>) dst(%dma_wait3A_29 : memref<10240x128xf32, #tpu.memory_space<vmem_shared>>)
          tpu.yield
        }) : () -> ()
        "tpu.region"() ({
          %run_scoped3A = tpu.sem_alloc : memref<!tpu.dma_semaphore, #tpu.memory_space<semaphore_mem>>
          %dma_start3A = arith.constant 0 : i32
          %dma_start3A_20 = tpu.memref_slice %arg11[%scan3A_19, %dma_start3A] : memref<8x128xi32, #tpu.memory_space<vmem>> -> memref<1x128xi32, #tpu.memory_space<vmem>>
          %dma_start3A_21 = tpu.memref_squeeze %dma_start3A_20 : memref<1x128xi32, #tpu.memory_space<vmem>> -> memref<128xi32, #tpu.memory_space<vmem>>
          %dma_start3A_22 = arith.constant 0 : i32
          %dma_start3A_23 = arith.constant 0 : i32
          %dma_start3A_24 = tpu.memref_slice %arg15[%dma_start3A_22, %dma_start3A_23] : memref<10240x8xf32, #tpu.memory_space<vmem_shared>> -> memref<10240x8xf32, #tpu.memory_space<vmem_shared>>
          tpu.enqueue_indirect_dma source(%arg13 : memref<128x8xf32, #tpu.memory_space<vmem>>) target(%dma_start3A_24 : memref<10240x8xf32, #tpu.memory_space<vmem_shared>>) offsets(%dma_start3A_21 : memref<128xi32, #tpu.memory_space<vmem>>) semaphore(%run_scoped3A : memref<!tpu.dma_semaphore, #tpu.memory_space<semaphore_mem>>) {add = true}
          %dma_wait3A = arith.constant 0 : i32
          %dma_wait3A_25 = tpu.memref_slice %arg11[%scan3A_19, %dma_wait3A] : memref<8x128xi32, #tpu.memory_space<vmem>> -> memref<1x128xi32, #tpu.memory_space<vmem>>
          %dma_wait3A_26 = tpu.memref_squeeze %dma_wait3A_25 : memref<1x128xi32, #tpu.memory_space<vmem>> -> memref<128xi32, #tpu.memory_space<vmem>>
          %dma_wait3A_27 = arith.constant 0 : i32
          %dma_wait3A_28 = arith.constant 0 : i32
          %dma_wait3A_29 = tpu.memref_slice %arg15[%dma_wait3A_27, %dma_wait3A_28] : memref<10240x8xf32, #tpu.memory_space<vmem_shared>> -> memref<10240x8xf32, #tpu.memory_space<vmem_shared>>
          tpu.wait_indirect_dma semaphore(%run_scoped3A : memref<!tpu.dma_semaphore, #tpu.memory_space<semaphore_mem>>) src(%arg13 : memref<128x8xf32, #tpu.memory_space<vmem>>) dst(%dma_wait3A_29 : memref<10240x8xf32, #tpu.memory_space<vmem_shared>>)
          tpu.yield
        }) : () -> ()
      }
      %scan3A_18 = arith.constant 8 : i32
    }
    %scan3A_7 = arith.constant 10 : i32
    %barrier3A_8 = arith.constant 0 : index
    tpu.barrier barrier_id(%barrier3A_8)
    "tpu.region"() ({
      %run_scoped3A = tpu.sem_alloc : memref<!tpu.dma_semaphore, #tpu.memory_space<semaphore_mem>>
      %dma_start3A = arith.constant 0 : i32
      %dma_start3A_9 = tpu.memref_slice %arg8[%arg0, %mul3A_2, %dma_start3A] : memref<2x10240x128xf32, #tpu.memory_space<hbm>> -> memref<1x640x128xf32, #tpu.memory_space<hbm>>
      %dma_start3A_10 = tpu.memref_squeeze %dma_start3A_9 : memref<1x640x128xf32, #tpu.memory_space<hbm>> -> memref<640x128xf32, #tpu.memory_space<hbm>>
      %dma_start3A_11 = arith.constant 0 : i32
      %dma_start3A_12 = tpu.memref_slice %arg14[%mul3A_2, %dma_start3A_11] : memref<10240x128xf32, #tpu.memory_space<vmem_shared>> -> memref<640x128xf32, #tpu.memory_space<vmem_shared>>
      tpu.enqueue_dma source(%dma_start3A_12 : memref<640x128xf32, #tpu.memory_space<vmem_shared>>) target(%dma_start3A_10 : memref<640x128xf32, #tpu.memory_space<hbm>>) target_semaphore(%run_scoped3A : memref<!tpu.dma_semaphore, #tpu.memory_space<semaphore_mem>>)
      %dma_wait3A = arith.constant 0 : i32
      %dma_wait3A_13 = tpu.memref_slice %arg8[%arg0, %mul3A_2, %dma_wait3A] : memref<2x10240x128xf32, #tpu.memory_space<hbm>> -> memref<1x640x128xf32, #tpu.memory_space<hbm>>
      %dma_wait3A_14 = tpu.memref_squeeze %dma_wait3A_13 : memref<1x640x128xf32, #tpu.memory_space<hbm>> -> memref<640x128xf32, #tpu.memory_space<hbm>>
      %dma_wait3A_15 = arith.constant 0 : i32
      %dma_wait3A_16 = tpu.memref_slice %arg14[%mul3A_2, %dma_wait3A_15] : memref<10240x128xf32, #tpu.memory_space<vmem_shared>> -> memref<640x128xf32, #tpu.memory_space<vmem_shared>>
      tpu.wait_dma2 semaphore(%run_scoped3A : memref<!tpu.dma_semaphore, #tpu.memory_space<semaphore_mem>>) src(%dma_wait3A_16 : memref<640x128xf32, #tpu.memory_space<vmem_shared>>) dst(%dma_wait3A_14 : memref<640x128xf32, #tpu.memory_space<hbm>>)
      tpu.yield
    }) : () -> ()
    "tpu.region"() ({
      %run_scoped3A = tpu.sem_alloc : memref<!tpu.dma_semaphore, #tpu.memory_space<semaphore_mem>>
      %dma_start3A = arith.constant 0 : i32
      %dma_start3A_9 = tpu.memref_slice %arg9[%arg0, %mul3A_2, %dma_start3A] : memref<2x10240x8xf32, #tpu.memory_space<hbm>> -> memref<1x640x8xf32, #tpu.memory_space<hbm>>
      %dma_start3A_10 = tpu.memref_squeeze %dma_start3A_9 : memref<1x640x8xf32, #tpu.memory_space<hbm>> -> memref<640x8xf32, #tpu.memory_space<hbm>>
      %dma_start3A_11 = arith.constant 0 : i32
      %dma_start3A_12 = tpu.memref_slice %arg15[%mul3A_2, %dma_start3A_11] : memref<10240x8xf32, #tpu.memory_space<vmem_shared>> -> memref<640x8xf32, #tpu.memory_space<vmem_shared>>
      tpu.enqueue_dma source(%dma_start3A_12 : memref<640x8xf32, #tpu.memory_space<vmem_shared>>) target(%dma_start3A_10 : memref<640x8xf32, #tpu.memory_space<hbm>>) target_semaphore(%run_scoped3A : memref<!tpu.dma_semaphore, #tpu.memory_space<semaphore_mem>>)
      %dma_wait3A = arith.constant 0 : i32
      %dma_wait3A_13 = tpu.memref_slice %arg9[%arg0, %mul3A_2, %dma_wait3A] : memref<2x10240x8xf32, #tpu.memory_space<hbm>> -> memref<1x640x8xf32, #tpu.memory_space<hbm>>
      %dma_wait3A_14 = tpu.memref_squeeze %dma_wait3A_13 : memref<1x640x8xf32, #tpu.memory_space<hbm>> -> memref<640x8xf32, #tpu.memory_space<hbm>>
      %dma_wait3A_15 = arith.constant 0 : i32
      %dma_wait3A_16 = tpu.memref_slice %arg15[%mul3A_2, %dma_wait3A_15] : memref<10240x8xf32, #tpu.memory_space<vmem_shared>> -> memref<640x8xf32, #tpu.memory_space<vmem_shared>>
      tpu.wait_dma2 semaphore(%run_scoped3A : memref<!tpu.dma_semaphore, #tpu.memory_space<semaphore_mem>>) src(%dma_wait3A_16 : memref<640x8xf32, #tpu.memory_space<vmem_shared>>) dst(%dma_wait3A_14 : memref<640x8xf32, #tpu.memory_space<hbm>>)
      tpu.yield
    }) : () -> ()
    return
  }
}

#map = affine_map<(d0, d1) -> (0, 0)>
#map1 = affine_map<(d0, d1) -> (0, 0, 0)>
module attributes {stable_mosaic.version = 14 : i64} {
  func.func @k(%arg0: i32, %arg1: i32, %arg2: memref<10000x64xf32, #tpu.memory_space<hbm>>, %arg3: memref<32x80x128xi32, #tpu.memory_space<hbm>>, %arg4: memref<32x80x128xi32, #tpu.memory_space<hbm>>, %arg5: memref<10240x64xf32, #tpu.memory_space<hbm>>, %arg6: memref<2x10240x64xf32, #tpu.memory_space<hbm>>, %arg7: memref<8x128xi32, #tpu.memory_space<vmem>>, %arg8: memref<8x128xi32, #tpu.memory_space<vmem>>, %arg9: memref<128x64xf32, #tpu.memory_space<vmem>>, %arg10: memref<10240x64xf32, #tpu.memory_space<vmem_shared>>) attributes {dimension_semantics = [#tpu.dimension_semantics<core_parallel>, #tpu.dimension_semantics<subcore_parallel>], iteration_bounds = array<i64: 2, 16>, scalar_prefetch = 0 : i64, scratch_operands = 4 : i64, tpu.core_type = #tpu.core_type<sc_vector_subcore>, window_params = [{transform_indices = #map}, {transform_indices = #map1}, {transform_indices = #map1}, {transform_indices = #map}, {transform_indices = #map1}]} {
    %mul3A = arith.constant 2 : i32
    %mul3A_0 = arith.muli %arg1, %mul3A : i32
    %add3A = arith.addi %mul3A_0, %arg0 : i32
    %mul3A_1 = arith.constant 640 : i32
    %mul3A_2 = arith.muli %arg1, %mul3A_1 : i32
    "tpu.region"() ({
      %run_scoped3A = tpu.sem_alloc : memref<!tpu.dma_semaphore, #tpu.memory_space<semaphore_mem>>
      %dma_start3A = arith.constant 0 : i32
      %dma_start3A_9 = tpu.memref_slice %arg10[%mul3A_2, %dma_start3A] : memref<10240x64xf32, #tpu.memory_space<vmem_shared>> -> memref<640x64xf32, #tpu.memory_space<vmem_shared>>
      %dma_start3A_10 = arith.constant 0 : i32
      %dma_start3A_11 = tpu.memref_slice %arg5[%mul3A_2, %dma_start3A_10] : memref<10240x64xf32, #tpu.memory_space<hbm>> -> memref<640x64xf32, #tpu.memory_space<hbm>>
      tpu.enqueue_dma source(%dma_start3A_11 : memref<640x64xf32, #tpu.memory_space<hbm>>) target(%dma_start3A_9 : memref<640x64xf32, #tpu.memory_space<vmem_shared>>) target_semaphore(%run_scoped3A : memref<!tpu.dma_semaphore, #tpu.memory_space<semaphore_mem>>)
      %dma_wait3A = arith.constant 0 : i32
      %dma_wait3A_12 = tpu.memref_slice %arg10[%mul3A_2, %dma_wait3A] : memref<10240x64xf32, #tpu.memory_space<vmem_shared>> -> memref<640x64xf32, #tpu.memory_space<vmem_shared>>
      %dma_wait3A_13 = arith.constant 0 : i32
      %dma_wait3A_14 = tpu.memref_slice %arg5[%mul3A_2, %dma_wait3A_13] : memref<10240x64xf32, #tpu.memory_space<hbm>> -> memref<640x64xf32, #tpu.memory_space<hbm>>
      tpu.wait_dma2 semaphore(%run_scoped3A : memref<!tpu.dma_semaphore, #tpu.memory_space<semaphore_mem>>) src(%dma_wait3A_14 : memref<640x64xf32, #tpu.memory_space<hbm>>) dst(%dma_wait3A_12 : memref<640x64xf32, #tpu.memory_space<vmem_shared>>)
      tpu.yield
    }) : () -> ()
    %barrier3A = arith.constant 0 : index
    tpu.barrier barrier_id(%barrier3A)
    %scan3A = arith.constant 0 : i32
    %scan3A_3 = arith.constant 0 : i32
    %scan3A_4 = arith.constant 10 : i32
    %scan3A_5 = arith.addi %scan3A_3, %scan3A_4 : i32
    %scan3A_6 = arith.constant 1 : i32
    scf.for %scan3A_9 = %scan3A_3 to %scan3A_5 step %scan3A_6  : i32 {
      %mul3A_10 = arith.constant 8 : i32
      %mul3A_11 = arith.muli %scan3A_9, %mul3A_10 : i32
      "tpu.region"() ({
        %run_scoped3A = tpu.sem_alloc : memref<!tpu.dma_semaphore, #tpu.memory_space<semaphore_mem>>
        %dma_start3A = arith.constant 0 : i32
        %dma_start3A_19 = tpu.memref_slice %arg3[%add3A, %mul3A_11, %dma_start3A] : memref<32x80x128xi32, #tpu.memory_space<hbm>> -> memref<1x8x128xi32, #tpu.memory_space<hbm>>
        %dma_start3A_20 = tpu.memref_squeeze %dma_start3A_19 : memref<1x8x128xi32, #tpu.memory_space<hbm>> -> memref<8x128xi32, #tpu.memory_space<hbm>>
        %dma_start3A_21 = arith.constant 0 : i32
        %dma_start3A_22 = tpu.memref_slice %arg3[%add3A, %mul3A_11, %dma_start3A_21] : memref<32x80x128xi32, #tpu.memory_space<hbm>> -> memref<1x8x128xi32, #tpu.memory_space<hbm>>
        %dma_start3A_23 = tpu.memref_squeeze %dma_start3A_22 : memref<1x8x128xi32, #tpu.memory_space<hbm>> -> memref<8x128xi32, #tpu.memory_space<hbm>>
        tpu.enqueue_dma source(%dma_start3A_23 : memref<8x128xi32, #tpu.memory_space<hbm>>) target(%arg7 : memref<8x128xi32, #tpu.memory_space<vmem>>) target_semaphore(%run_scoped3A : memref<!tpu.dma_semaphore, #tpu.memory_space<semaphore_mem>>)
        %dma_wait3A = arith.constant 0 : i32
        %dma_wait3A_24 = tpu.memref_slice %arg3[%add3A, %mul3A_11, %dma_wait3A] : memref<32x80x128xi32, #tpu.memory_space<hbm>> -> memref<1x8x128xi32, #tpu.memory_space<hbm>>
        %dma_wait3A_25 = tpu.memref_squeeze %dma_wait3A_24 : memref<1x8x128xi32, #tpu.memory_space<hbm>> -> memref<8x128xi32, #tpu.memory_space<hbm>>
        %dma_wait3A_26 = arith.constant 0 : i32
        %dma_wait3A_27 = tpu.memref_slice %arg3[%add3A, %mul3A_11, %dma_wait3A_26] : memref<32x80x128xi32, #tpu.memory_space<hbm>> -> memref<1x8x128xi32, #tpu.memory_space<hbm>>
        %dma_wait3A_28 = tpu.memref_squeeze %dma_wait3A_27 : memref<1x8x128xi32, #tpu.memory_space<hbm>> -> memref<8x128xi32, #tpu.memory_space<hbm>>
        tpu.wait_dma2 semaphore(%run_scoped3A : memref<!tpu.dma_semaphore, #tpu.memory_space<semaphore_mem>>) src(%dma_wait3A_28 : memref<8x128xi32, #tpu.memory_space<hbm>>) dst(%arg7 : memref<8x128xi32, #tpu.memory_space<vmem>>)
        tpu.yield
      }) : () -> ()
      %mul3A_12 = arith.constant 8 : i32
      %mul3A_13 = arith.muli %scan3A_9, %mul3A_12 : i32
      "tpu.region"() ({
        %run_scoped3A = tpu.sem_alloc : memref<!tpu.dma_semaphore, #tpu.memory_space<semaphore_mem>>
        %dma_start3A = arith.constant 0 : i32
        %dma_start3A_19 = tpu.memref_slice %arg4[%add3A, %mul3A_13, %dma_start3A] : memref<32x80x128xi32, #tpu.memory_space<hbm>> -> memref<1x8x128xi32, #tpu.memory_space<hbm>>
        %dma_start3A_20 = tpu.memref_squeeze %dma_start3A_19 : memref<1x8x128xi32, #tpu.memory_space<hbm>> -> memref<8x128xi32, #tpu.memory_space<hbm>>
        %dma_start3A_21 = arith.constant 0 : i32
        %dma_start3A_22 = tpu.memref_slice %arg4[%add3A, %mul3A_13, %dma_start3A_21] : memref<32x80x128xi32, #tpu.memory_space<hbm>> -> memref<1x8x128xi32, #tpu.memory_space<hbm>>
        %dma_start3A_23 = tpu.memref_squeeze %dma_start3A_22 : memref<1x8x128xi32, #tpu.memory_space<hbm>> -> memref<8x128xi32, #tpu.memory_space<hbm>>
        tpu.enqueue_dma source(%dma_start3A_23 : memref<8x128xi32, #tpu.memory_space<hbm>>) target(%arg8 : memref<8x128xi32, #tpu.memory_space<vmem>>) target_semaphore(%run_scoped3A : memref<!tpu.dma_semaphore, #tpu.memory_space<semaphore_mem>>)
        %dma_wait3A = arith.constant 0 : i32
        %dma_wait3A_24 = tpu.memref_slice %arg4[%add3A, %mul3A_13, %dma_wait3A] : memref<32x80x128xi32, #tpu.memory_space<hbm>> -> memref<1x8x128xi32, #tpu.memory_space<hbm>>
        %dma_wait3A_25 = tpu.memref_squeeze %dma_wait3A_24 : memref<1x8x128xi32, #tpu.memory_space<hbm>> -> memref<8x128xi32, #tpu.memory_space<hbm>>
        %dma_wait3A_26 = arith.constant 0 : i32
        %dma_wait3A_27 = tpu.memref_slice %arg4[%add3A, %mul3A_13, %dma_wait3A_26] : memref<32x80x128xi32, #tpu.memory_space<hbm>> -> memref<1x8x128xi32, #tpu.memory_space<hbm>>
        %dma_wait3A_28 = tpu.memref_squeeze %dma_wait3A_27 : memref<1x8x128xi32, #tpu.memory_space<hbm>> -> memref<8x128xi32, #tpu.memory_space<hbm>>
        tpu.wait_dma2 semaphore(%run_scoped3A : memref<!tpu.dma_semaphore, #tpu.memory_space<semaphore_mem>>) src(%dma_wait3A_28 : memref<8x128xi32, #tpu.memory_space<hbm>>) dst(%arg8 : memref<8x128xi32, #tpu.memory_space<vmem>>)
        tpu.yield
      }) : () -> ()
      %scan3A_14 = arith.constant 0 : i32
      %scan3A_15 = arith.constant 8 : i32
      %scan3A_16 = arith.addi %scan3A_14, %scan3A_15 : i32
      %scan3A_17 = arith.constant 1 : i32
      scf.for %scan3A_19 = %scan3A_14 to %scan3A_16 step %scan3A_17  : i32 {
        "tpu.region"() ({
          %run_scoped3A = tpu.sem_alloc : memref<!tpu.dma_semaphore, #tpu.memory_space<semaphore_mem>>
          %dma_start3A = arith.constant 0 : i32
          %dma_start3A_20 = tpu.memref_slice %arg7[%scan3A_19, %dma_start3A] : memref<8x128xi32, #tpu.memory_space<vmem>> -> memref<1x128xi32, #tpu.memory_space<vmem>>
          %dma_start3A_21 = tpu.memref_squeeze %dma_start3A_20 : memref<1x128xi32, #tpu.memory_space<vmem>> -> memref<128xi32, #tpu.memory_space<vmem>>
          %dma_start3A_22 = arith.constant 0 : i32
          %dma_start3A_23 = arith.constant 0 : i32
          %dma_start3A_24 = tpu.memref_slice %arg2[%dma_start3A_22, %dma_start3A_23] : memref<10000x64xf32, #tpu.memory_space<hbm>> -> memref<10000x64xf32, #tpu.memory_space<hbm>>
          tpu.enqueue_indirect_dma source(%dma_start3A_24 : memref<10000x64xf32, #tpu.memory_space<hbm>>) target(%arg9 : memref<128x64xf32, #tpu.memory_space<vmem>>) offsets(%dma_start3A_21 : memref<128xi32, #tpu.memory_space<vmem>>) semaphore(%run_scoped3A : memref<!tpu.dma_semaphore, #tpu.memory_space<semaphore_mem>>)
          %dma_wait3A = arith.constant 0 : i32
          %dma_wait3A_25 = tpu.memref_slice %arg7[%scan3A_19, %dma_wait3A] : memref<8x128xi32, #tpu.memory_space<vmem>> -> memref<1x128xi32, #tpu.memory_space<vmem>>
          %dma_wait3A_26 = tpu.memref_squeeze %dma_wait3A_25 : memref<1x128xi32, #tpu.memory_space<vmem>> -> memref<128xi32, #tpu.memory_space<vmem>>
          %dma_wait3A_27 = arith.constant 0 : i32
          %dma_wait3A_28 = arith.constant 0 : i32
          %dma_wait3A_29 = tpu.memref_slice %arg2[%dma_wait3A_27, %dma_wait3A_28] : memref<10000x64xf32, #tpu.memory_space<hbm>> -> memref<10000x64xf32, #tpu.memory_space<hbm>>
          tpu.wait_indirect_dma semaphore(%run_scoped3A : memref<!tpu.dma_semaphore, #tpu.memory_space<semaphore_mem>>) src(%dma_wait3A_29 : memref<10000x64xf32, #tpu.memory_space<hbm>>) dst(%arg9 : memref<128x64xf32, #tpu.memory_space<vmem>>)
          tpu.yield
        }) : () -> ()
        "tpu.region"() ({
          %run_scoped3A = tpu.sem_alloc : memref<!tpu.dma_semaphore, #tpu.memory_space<semaphore_mem>>
          %dma_start3A = arith.constant 0 : i32
          %dma_start3A_20 = tpu.memref_slice %arg8[%scan3A_19, %dma_start3A] : memref<8x128xi32, #tpu.memory_space<vmem>> -> memref<1x128xi32, #tpu.memory_space<vmem>>
          %dma_start3A_21 = tpu.memref_squeeze %dma_start3A_20 : memref<1x128xi32, #tpu.memory_space<vmem>> -> memref<128xi32, #tpu.memory_space<vmem>>
          %dma_start3A_22 = arith.constant 0 : i32
          %dma_start3A_23 = arith.constant 0 : i32
          %dma_start3A_24 = tpu.memref_slice %arg10[%dma_start3A_22, %dma_start3A_23] : memref<10240x64xf32, #tpu.memory_space<vmem_shared>> -> memref<10240x64xf32, #tpu.memory_space<vmem_shared>>
          tpu.enqueue_indirect_dma source(%arg9 : memref<128x64xf32, #tpu.memory_space<vmem>>) target(%dma_start3A_24 : memref<10240x64xf32, #tpu.memory_space<vmem_shared>>) offsets(%dma_start3A_21 : memref<128xi32, #tpu.memory_space<vmem>>) semaphore(%run_scoped3A : memref<!tpu.dma_semaphore, #tpu.memory_space<semaphore_mem>>) {add = true}
          %dma_wait3A = arith.constant 0 : i32
          %dma_wait3A_25 = tpu.memref_slice %arg8[%scan3A_19, %dma_wait3A] : memref<8x128xi32, #tpu.memory_space<vmem>> -> memref<1x128xi32, #tpu.memory_space<vmem>>
          %dma_wait3A_26 = tpu.memref_squeeze %dma_wait3A_25 : memref<1x128xi32, #tpu.memory_space<vmem>> -> memref<128xi32, #tpu.memory_space<vmem>>
          %dma_wait3A_27 = arith.constant 0 : i32
          %dma_wait3A_28 = arith.constant 0 : i32
          %dma_wait3A_29 = tpu.memref_slice %arg10[%dma_wait3A_27, %dma_wait3A_28] : memref<10240x64xf32, #tpu.memory_space<vmem_shared>> -> memref<10240x64xf32, #tpu.memory_space<vmem_shared>>
          tpu.wait_indirect_dma semaphore(%run_scoped3A : memref<!tpu.dma_semaphore, #tpu.memory_space<semaphore_mem>>) src(%arg9 : memref<128x64xf32, #tpu.memory_space<vmem>>) dst(%dma_wait3A_29 : memref<10240x64xf32, #tpu.memory_space<vmem_shared>>)
          tpu.yield
        }) : () -> ()
      }
      %scan3A_18 = arith.constant 8 : i32
    }
    %scan3A_7 = arith.constant 10 : i32
    %barrier3A_8 = arith.constant 0 : index
    tpu.barrier barrier_id(%barrier3A_8)
    "tpu.region"() ({
      %run_scoped3A = tpu.sem_alloc : memref<!tpu.dma_semaphore, #tpu.memory_space<semaphore_mem>>
      %dma_start3A = arith.constant 0 : i32
      %dma_start3A_9 = tpu.memref_slice %arg6[%arg0, %mul3A_2, %dma_start3A] : memref<2x10240x64xf32, #tpu.memory_space<hbm>> -> memref<1x640x64xf32, #tpu.memory_space<hbm>>
      %dma_start3A_10 = tpu.memref_squeeze %dma_start3A_9 : memref<1x640x64xf32, #tpu.memory_space<hbm>> -> memref<640x64xf32, #tpu.memory_space<hbm>>
      %dma_start3A_11 = arith.constant 0 : i32
      %dma_start3A_12 = tpu.memref_slice %arg10[%mul3A_2, %dma_start3A_11] : memref<10240x64xf32, #tpu.memory_space<vmem_shared>> -> memref<640x64xf32, #tpu.memory_space<vmem_shared>>
      tpu.enqueue_dma source(%dma_start3A_12 : memref<640x64xf32, #tpu.memory_space<vmem_shared>>) target(%dma_start3A_10 : memref<640x64xf32, #tpu.memory_space<hbm>>) target_semaphore(%run_scoped3A : memref<!tpu.dma_semaphore, #tpu.memory_space<semaphore_mem>>)
      %dma_wait3A = arith.constant 0 : i32
      %dma_wait3A_13 = tpu.memref_slice %arg6[%arg0, %mul3A_2, %dma_wait3A] : memref<2x10240x64xf32, #tpu.memory_space<hbm>> -> memref<1x640x64xf32, #tpu.memory_space<hbm>>
      %dma_wait3A_14 = tpu.memref_squeeze %dma_wait3A_13 : memref<1x640x64xf32, #tpu.memory_space<hbm>> -> memref<640x64xf32, #tpu.memory_space<hbm>>
      %dma_wait3A_15 = arith.constant 0 : i32
      %dma_wait3A_16 = tpu.memref_slice %arg10[%mul3A_2, %dma_wait3A_15] : memref<10240x64xf32, #tpu.memory_space<vmem_shared>> -> memref<640x64xf32, #tpu.memory_space<vmem_shared>>
      tpu.wait_dma2 semaphore(%run_scoped3A : memref<!tpu.dma_semaphore, #tpu.memory_space<semaphore_mem>>) src(%dma_wait3A_16 : memref<640x64xf32, #tpu.memory_space<vmem_shared>>) dst(%dma_wait3A_14 : memref<640x64xf32, #tpu.memory_space<hbm>>)
      tpu.yield
    }) : () -> ()
    return
  }
}

module attributes {stable_mosaic.version = 14 : i64} {
  func.func @_tc1_body(%arg0: i32, %arg1: memref<1000x128xf32, #tpu.memory_space<vmem>>, %arg2: memref<1x1000x128xf32, #tpu.memory_space<vmem>>, %arg3: memref<1x1000x128xf32, #tpu.memory_space<vmem>>, %arg4: memref<1x1000x8xf32, #tpu.memory_space<vmem>>, %arg5: memref<1x1000x8xf32, #tpu.memory_space<vmem>>, %arg6: memref<128x128xf32, #tpu.memory_space<vmem>>, %arg7: memref<1x128xf32, #tpu.memory_space<vmem>>, %arg8: memref<128x128xf32, #tpu.memory_space<vmem>>, %arg9: memref<128x64xf32, #tpu.memory_space<vmem>>, %arg10: memref<1000x128xf32, #tpu.memory_space<vmem>>, %arg11: memref<1000x64xf32, #tpu.memory_space<vmem>>, %arg12: memref<1000x1xf32, #tpu.memory_space<vmem>>) attributes {dimension_semantics = [#tpu.dimension_semantics<arbitrary>], iteration_bounds = array<i64: 10>, scalar_prefetch = 0 : i64, scratch_operands = 0 : i64, tpu.core_type = #tpu.core_type<tc>, window_params = [{transform_indices = @transform_0, window_bounds = array<i64: 1000, 128>}, {transform_indices = @transform_1, window_bounds = array<i64: 1, 1000, 128>}, {transform_indices = @transform_2, window_bounds = array<i64: 1, 1000, 128>}, {transform_indices = @transform_3, window_bounds = array<i64: 1, 1000, 8>}, {transform_indices = @transform_4, window_bounds = array<i64: 1, 1000, 8>}, {pipeline_mode = #tpu.pipeline_mode<synchronous>, transform_indices = @transform_5, window_bounds = array<i64: 128, 128>}, {pipeline_mode = #tpu.pipeline_mode<synchronous>, transform_indices = @transform_6, window_bounds = array<i64: 1, 128>}, {pipeline_mode = #tpu.pipeline_mode<synchronous>, transform_indices = @transform_7, window_bounds = array<i64: 128, 128>}, {pipeline_mode = #tpu.pipeline_mode<synchronous>, transform_indices = @transform_8, window_bounds = array<i64: 128, 64>}, {transform_indices = @transform_9, window_bounds = array<i64: 1000, 128>}, {transform_indices = @transform_10, window_bounds = array<i64: 1000, 64>}, {transform_indices = @transform_11, window_bounds = array<i64: 1000, 1>}]} {
    %get3A = arith.constant 0 : index
    %get3A_0 = arith.constant 0 : index
    %get3A_1 = arith.constant 0 : index
    %get3A_2 = vector.load %arg2[%get3A, %get3A_0, %get3A_1] : memref<1x1000x128xf32, #tpu.memory_space<vmem>>, vector<1x1000x128xf32>
    %get3A_3 = vector.shape_cast %get3A_2 : vector<1x1000x128xf32> to vector<1000x128xf32>
    %get3A_4 = arith.constant 0 : index
    %get3A_5 = arith.constant 0 : index
    %get3A_6 = arith.constant 0 : index
    %get3A_7 = vector.load %arg3[%get3A_4, %get3A_5, %get3A_6] : memref<1x1000x128xf32, #tpu.memory_space<vmem>>, vector<1x1000x128xf32>
    %get3A_8 = vector.shape_cast %get3A_7 : vector<1x1000x128xf32> to vector<1000x128xf32>
    %add3A = arith.addf %get3A_3, %get3A_8 : vector<1000x128xf32>
    %get3A_9 = arith.constant 0 : index
    %get3A_10 = arith.constant 0 : index
    %get3A_11 = arith.constant 0 : index
    %get3A_12 = vector.load %arg4[%get3A_9, %get3A_10, %get3A_11] : memref<1x1000x8xf32, #tpu.memory_space<vmem>>, vector<1x1000x8xf32>
    %get3A_13 = vector.shape_cast %get3A_12 : vector<1x1000x8xf32> to vector<1000x8xf32>
    %slice3A = vector.extract_strided_slice %get3A_13 {offsets = [0, 0], sizes = [1000, 1], strides = [1, 1]} : vector<1000x8xf32> to vector<1000x1xf32>
    %get3A_14 = arith.constant 0 : index
    %get3A_15 = arith.constant 0 : index
    %get3A_16 = arith.constant 0 : index
    %get3A_17 = vector.load %arg5[%get3A_14, %get3A_15, %get3A_16] : memref<1x1000x8xf32, #tpu.memory_space<vmem>>, vector<1x1000x8xf32>
    %get3A_18 = vector.shape_cast %get3A_17 : vector<1x1000x8xf32> to vector<1000x8xf32>
    %slice3A_19 = vector.extract_strided_slice %get3A_18 {offsets = [0, 0], sizes = [1000, 1], strides = [1, 1]} : vector<1000x8xf32> to vector<1000x1xf32>
    %add3A_20 = arith.addf %slice3A, %slice3A_19 : vector<1000x1xf32>
    %max3A = arith.constant 1.000000e+00 : f32
    %max3A_21 = vector.broadcast %max3A : f32 to vector<1000x1xf32>
    %max3A_22 = arith.maximumf %add3A_20, %max3A_21 : vector<1000x1xf32>
    %div3A = vector.broadcast %max3A_22 : vector<1000x1xf32> to vector<1000x128xf32>
    %div3A_23 = arith.divf %add3A, %div3A : vector<1000x128xf32>
    %get3A_24 = arith.constant 0 : index
    %get3A_25 = arith.constant 0 : index
    %get3A_26 = vector.load %arg6[%get3A_24, %get3A_25] : memref<128x128xf32, #tpu.memory_space<vmem>>, vector<128x128xf32>
    %dot_general3A = arith.constant dense<0.000000e+00> : vector<1000x128xf32>
    %dot_general3A_27 = tpu.matmul %div3A_23, %get3A_26, %dot_general3A {dimension_numbers = #tpu.dot_dimension_numbers<[1], [0], [0], [1], [0, 0, 1, 1], [], []>, precision = #tpu.contract_precision<fp32>, transpose_lhs_hint = false} : vector<1000x128xf32>, vector<128x128xf32>, vector<1000x128xf32> -> vector<1000x128xf32>
    %get3A_28 = arith.constant 0 : index
    %get3A_29 = arith.constant 0 : index
    %get3A_30 = vector.load %arg1[%get3A_28, %get3A_29] : memref<1000x128xf32, #tpu.memory_space<vmem>>, vector<1000x128xf32>
    %get3A_31 = arith.constant 0 : index
    %get3A_32 = arith.constant 0 : index
    %get3A_33 = vector.load %arg8[%get3A_31, %get3A_32] : memref<128x128xf32, #tpu.memory_space<vmem>>, vector<128x128xf32>
    %dot_general3A_34 = arith.constant dense<0.000000e+00> : vector<1000x128xf32>
    %dot_general3A_35 = tpu.matmul %get3A_30, %get3A_33, %dot_general3A_34 {dimension_numbers = #tpu.dot_dimension_numbers<[1], [0], [0], [1], [0, 0, 1, 1], [], []>, precision = #tpu.contract_precision<fp32>, transpose_lhs_hint = false} : vector<1000x128xf32>, vector<128x128xf32>, vector<1000x128xf32> -> vector<1000x128xf32>
    %add3A_36 = arith.addf %dot_general3A_27, %dot_general3A_35 : vector<1000x128xf32>
    %get3A_37 = arith.constant 0 : index
    %get3A_38 = arith.constant 0 : index
    %get3A_39 = vector.load %arg7[%get3A_37, %get3A_38] : memref<1x128xf32, #tpu.memory_space<vmem>>, vector<1x128xf32>
    %add3A_40 = vector.broadcast %get3A_39 : vector<1x128xf32> to vector<1000x128xf32>
    %add3A_41 = arith.addf %add3A_36, %add3A_40 : vector<1000x128xf32>
    %mul3A = arith.mulf %add3A_41, %add3A_41 : vector<1000x128xf32>
    %reduce_sum3A = arith.constant dense<0.000000e+00> : vector<1000xf32>
    %reduce_sum3A_42 = vector.multi_reduction <add>, %mul3A, %reduce_sum3A [1] : vector<1000x128xf32> to vector<1000xf32>
    %broadcast_in_dim3A = vector.shape_cast %reduce_sum3A_42 : vector<1000xf32> to vector<1000x1xf32>
    %sqrt3A = math.sqrt %broadcast_in_dim3A : vector<1000x1xf32>
    %max3A_43 = arith.constant 9.99999996E-13 : f32
    %max3A_44 = vector.broadcast %max3A_43 : f32 to vector<1000x1xf32>
    %max3A_45 = arith.maximumf %sqrt3A, %max3A_44 : vector<1000x1xf32>
    %div3A_46 = vector.broadcast %max3A_45 : vector<1000x1xf32> to vector<1000x128xf32>
    %div3A_47 = arith.divf %add3A_41, %div3A_46 : vector<1000x128xf32>
    %max3A_48 = arith.constant 0.000000e+00 : f32
    %max3A_49 = vector.broadcast %max3A_48 : f32 to vector<1000x128xf32>
    %max3A_50 = arith.maximumf %div3A_47, %max3A_49 : vector<1000x128xf32>
    %swap3A = arith.constant 0 : index
    %swap3A_51 = arith.constant 0 : index
    %swap3A_52 = vector.load %arg10[%swap3A, %swap3A_51] : memref<1000x128xf32, #tpu.memory_space<vmem>>, vector<1000x128xf32>
    tpu.vector_store %arg10[%swap3A, %swap3A_51], %max3A_50 {strides = array<i32>} : memref<1000x128xf32, #tpu.memory_space<vmem>>, vector<1000x128xf32>,
    %get3A_53 = arith.constant 0 : index
    %get3A_54 = arith.constant 0 : index
    %get3A_55 = vector.load %arg9[%get3A_53, %get3A_54] : memref<128x64xf32, #tpu.memory_space<vmem>>, vector<128x64xf32>
    %dot_general3A_56 = arith.constant dense<0.000000e+00> : vector<1000x64xf32>
    %dot_general3A_57 = tpu.matmul %max3A_50, %get3A_55, %dot_general3A_56 {dimension_numbers = #tpu.dot_dimension_numbers<[1], [0], [0], [1], [0, 0, 1, 1], [], []>, precision = #tpu.contract_precision<fp32>, transpose_lhs_hint = false} : vector<1000x128xf32>, vector<128x64xf32>, vector<1000x64xf32> -> vector<1000x64xf32>
    %swap3A_58 = arith.constant 0 : index
    %swap3A_59 = arith.constant 0 : index
    %swap3A_60 = vector.load %arg11[%swap3A_58, %swap3A_59] : memref<1000x64xf32, #tpu.memory_space<vmem>>, vector<1000x64xf32>
    tpu.vector_store %arg11[%swap3A_58, %swap3A_59], %dot_general3A_57 {strides = array<i32>} : memref<1000x64xf32, #tpu.memory_space<vmem>>, vector<1000x64xf32>,
    %swap3A_61 = arith.constant 0 : index
    %swap3A_62 = arith.constant 0 : index
    %swap3A_63 = vector.load %arg12[%swap3A_61, %swap3A_62] : memref<1000x1xf32, #tpu.memory_space<vmem>>, vector<1000x1xf32>
    tpu.vector_store %arg12[%swap3A_61, %swap3A_62], %max3A_22 {strides = array<i32>} : memref<1000x1xf32, #tpu.memory_space<vmem>>, vector<1000x1xf32>,
    return
  }
  func.func @transform_0(%arg0: i32) -> (i32, i32) {
    %c0_i32 = arith.constant 0 : i32
    %c0_i32_0 = arith.constant 0 : i32
    return %arg0, %c0_i32 : i32, i32
  }
  func.func @transform_1(%arg0: i32) -> (i32, i32, i32) {
    %c0_i32 = arith.constant 0 : i32
    %c0_i32_0 = arith.constant 0 : i32
    %c0_i32_1 = arith.constant 0 : i32
    return %c0_i32, %arg0, %c0_i32_0 : i32, i32, i32
  }
  func.func @transform_2(%arg0: i32) -> (i32, i32, i32) {
    %c1_i32 = arith.constant 1 : i32
    %c0_i32 = arith.constant 0 : i32
    %c0_i32_0 = arith.constant 0 : i32
    return %c1_i32, %arg0, %c0_i32 : i32, i32, i32
  }
  func.func @transform_3(%arg0: i32) -> (i32, i32, i32) {
    %c0_i32 = arith.constant 0 : i32
    %c0_i32_0 = arith.constant 0 : i32
    %c0_i32_1 = arith.constant 0 : i32
    return %c0_i32, %arg0, %c0_i32_0 : i32, i32, i32
  }
  func.func @transform_4(%arg0: i32) -> (i32, i32, i32) {
    %c1_i32 = arith.constant 1 : i32
    %c0_i32 = arith.constant 0 : i32
    %c0_i32_0 = arith.constant 0 : i32
    return %c1_i32, %arg0, %c0_i32 : i32, i32, i32
  }
  func.func @transform_5(%arg0: i32) -> (i32, i32) {
    %c0_i32 = arith.constant 0 : i32
    %c0_i32_0 = arith.constant 0 : i32
    %c0_i32_1 = arith.constant 0 : i32
    return %c0_i32, %c0_i32_0 : i32, i32
  }
  func.func @transform_6(%arg0: i32) -> (i32, i32) {
    %c0_i32 = arith.constant 0 : i32
    %c0_i32_0 = arith.constant 0 : i32
    %c0_i32_1 = arith.constant 0 : i32
    return %c0_i32, %c0_i32_0 : i32, i32
  }
  func.func @transform_7(%arg0: i32) -> (i32, i32) {
    %c0_i32 = arith.constant 0 : i32
    %c0_i32_0 = arith.constant 0 : i32
    %c0_i32_1 = arith.constant 0 : i32
    return %c0_i32, %c0_i32_0 : i32, i32
  }
  func.func @transform_8(%arg0: i32) -> (i32, i32) {
    %c0_i32 = arith.constant 0 : i32
    %c0_i32_0 = arith.constant 0 : i32
    %c0_i32_1 = arith.constant 0 : i32
    return %c0_i32, %c0_i32_0 : i32, i32
  }
  func.func @transform_9(%arg0: i32) -> (i32, i32) {
    %c0_i32 = arith.constant 0 : i32
    %c0_i32_0 = arith.constant 0 : i32
    return %arg0, %c0_i32 : i32, i32
  }
  func.func @transform_10(%arg0: i32) -> (i32, i32) {
    %c0_i32 = arith.constant 0 : i32
    %c0_i32_0 = arith.constant 0 : i32
    return %arg0, %c0_i32 : i32, i32
  }
  func.func @transform_11(%arg0: i32) -> (i32, i32) {
    %c0_i32 = arith.constant 0 : i32
    %c0_i32_0 = arith.constant 0 : i32
    return %arg0, %c0_i32 : i32, i32
  }
}

module attributes {stable_mosaic.version = 14 : i64} {
  func.func @_tc2_body(%arg0: i32, %arg1: memref<1000x128xf32, #tpu.memory_space<vmem>>, %arg2: memref<1x1000x64xf32, #tpu.memory_space<vmem>>, %arg3: memref<1x1000x64xf32, #tpu.memory_space<vmem>>, %arg4: memref<1000x1xf32, #tpu.memory_space<vmem>>, %arg5: memref<128x64xf32, #tpu.memory_space<vmem>>, %arg6: memref<1x64xf32, #tpu.memory_space<vmem>>, %arg7: memref<1000x64xf32, #tpu.memory_space<vmem>>) attributes {dimension_semantics = [#tpu.dimension_semantics<arbitrary>], iteration_bounds = array<i64: 10>, scalar_prefetch = 0 : i64, scratch_operands = 0 : i64, tpu.core_type = #tpu.core_type<tc>, window_params = [{transform_indices = @transform_0, window_bounds = array<i64: 1000, 128>}, {transform_indices = @transform_1, window_bounds = array<i64: 1, 1000, 64>}, {transform_indices = @transform_2, window_bounds = array<i64: 1, 1000, 64>}, {transform_indices = @transform_3, window_bounds = array<i64: 1000, 1>}, {pipeline_mode = #tpu.pipeline_mode<synchronous>, transform_indices = @transform_4, window_bounds = array<i64: 128, 64>}, {pipeline_mode = #tpu.pipeline_mode<synchronous>, transform_indices = @transform_5, window_bounds = array<i64: 1, 64>}, {transform_indices = @transform_6, window_bounds = array<i64: 1000, 64>}]} {
    %get3A = arith.constant 0 : index
    %get3A_0 = arith.constant 0 : index
    %get3A_1 = arith.constant 0 : index
    %get3A_2 = vector.load %arg2[%get3A, %get3A_0, %get3A_1] : memref<1x1000x64xf32, #tpu.memory_space<vmem>>, vector<1x1000x64xf32>
    %get3A_3 = vector.shape_cast %get3A_2 : vector<1x1000x64xf32> to vector<1000x64xf32>
    %get3A_4 = arith.constant 0 : index
    %get3A_5 = arith.constant 0 : index
    %get3A_6 = arith.constant 0 : index
    %get3A_7 = vector.load %arg3[%get3A_4, %get3A_5, %get3A_6] : memref<1x1000x64xf32, #tpu.memory_space<vmem>>, vector<1x1000x64xf32>
    %get3A_8 = vector.shape_cast %get3A_7 : vector<1x1000x64xf32> to vector<1000x64xf32>
    %add3A = arith.addf %get3A_3, %get3A_8 : vector<1000x64xf32>
    %get3A_9 = arith.constant 0 : index
    %get3A_10 = arith.constant 0 : index
    %get3A_11 = vector.load %arg4[%get3A_9, %get3A_10] : memref<1000x1xf32, #tpu.memory_space<vmem>>, vector<1000x1xf32>
    %div3A = vector.broadcast %get3A_11 : vector<1000x1xf32> to vector<1000x64xf32>
    %div3A_12 = arith.divf %add3A, %div3A : vector<1000x64xf32>
    %get3A_13 = arith.constant 0 : index
    %get3A_14 = arith.constant 0 : index
    %get3A_15 = vector.load %arg1[%get3A_13, %get3A_14] : memref<1000x128xf32, #tpu.memory_space<vmem>>, vector<1000x128xf32>
    %get3A_16 = arith.constant 0 : index
    %get3A_17 = arith.constant 0 : index
    %get3A_18 = vector.load %arg5[%get3A_16, %get3A_17] : memref<128x64xf32, #tpu.memory_space<vmem>>, vector<128x64xf32>
    %dot_general3A = arith.constant dense<0.000000e+00> : vector<1000x64xf32>
    %dot_general3A_19 = tpu.matmul %get3A_15, %get3A_18, %dot_general3A {dimension_numbers = #tpu.dot_dimension_numbers<[1], [0], [0], [1], [0, 0, 1, 1], [], []>, precision = #tpu.contract_precision<fp32>, transpose_lhs_hint = false} : vector<1000x128xf32>, vector<128x64xf32>, vector<1000x64xf32> -> vector<1000x64xf32>
    %add3A_20 = arith.addf %div3A_12, %dot_general3A_19 : vector<1000x64xf32>
    %get3A_21 = arith.constant 0 : index
    %get3A_22 = arith.constant 0 : index
    %get3A_23 = vector.load %arg6[%get3A_21, %get3A_22] : memref<1x64xf32, #tpu.memory_space<vmem>>, vector<1x64xf32>
    %add3A_24 = vector.broadcast %get3A_23 : vector<1x64xf32> to vector<1000x64xf32>
    %add3A_25 = arith.addf %add3A_20, %add3A_24 : vector<1000x64xf32>
    %mul3A = arith.mulf %add3A_25, %add3A_25 : vector<1000x64xf32>
    %reduce_sum3A = arith.constant dense<0.000000e+00> : vector<1000xf32>
    %reduce_sum3A_26 = vector.multi_reduction <add>, %mul3A, %reduce_sum3A [1] : vector<1000x64xf32> to vector<1000xf32>
    %broadcast_in_dim3A = vector.shape_cast %reduce_sum3A_26 : vector<1000xf32> to vector<1000x1xf32>
    %sqrt3A = math.sqrt %broadcast_in_dim3A : vector<1000x1xf32>
    %max3A = arith.constant 9.99999996E-13 : f32
    %max3A_27 = vector.broadcast %max3A : f32 to vector<1000x1xf32>
    %max3A_28 = arith.maximumf %sqrt3A, %max3A_27 : vector<1000x1xf32>
    %div3A_29 = vector.broadcast %max3A_28 : vector<1000x1xf32> to vector<1000x64xf32>
    %div3A_30 = arith.divf %add3A_25, %div3A_29 : vector<1000x64xf32>
    %reduce_max3A = arith.constant dense<0xFF800000> : vector<1000xf32>
    %reduce_max3A_31 = vector.multi_reduction <maximumf>, %div3A_30, %reduce_max3A [1] : vector<1000x64xf32> to vector<1000xf32>
    %broadcast_in_dim3A_32 = vector.shape_cast %reduce_max3A_31 : vector<1000xf32> to vector<1000x1xf32>
    %sub3A = vector.broadcast %broadcast_in_dim3A_32 : vector<1000x1xf32> to vector<1000x64xf32>
    %sub3A_33 = arith.subf %div3A_30, %sub3A : vector<1000x64xf32>
    %exp3A = math.exp %sub3A_33 : vector<1000x64xf32>
    %reduce_sum3A_34 = arith.constant dense<0.000000e+00> : vector<1000xf32>
    %reduce_sum3A_35 = vector.multi_reduction <add>, %exp3A, %reduce_sum3A_34 [1] : vector<1000x64xf32> to vector<1000xf32>
    %broadcast_in_dim3A_36 = vector.shape_cast %reduce_sum3A_35 : vector<1000xf32> to vector<1000x1xf32>
    %log3A = math.log %broadcast_in_dim3A_36 : vector<1000x1xf32>
    %add3A_37 = arith.addf %broadcast_in_dim3A_32, %log3A : vector<1000x1xf32>
    %sub3A_38 = vector.broadcast %add3A_37 : vector<1000x1xf32> to vector<1000x64xf32>
    %sub3A_39 = arith.subf %div3A_30, %sub3A_38 : vector<1000x64xf32>
    %swap3A = arith.constant 0 : index
    %swap3A_40 = arith.constant 0 : index
    %swap3A_41 = vector.load %arg7[%swap3A, %swap3A_40] : memref<1000x64xf32, #tpu.memory_space<vmem>>, vector<1000x64xf32>
    tpu.vector_store %arg7[%swap3A, %swap3A_40], %sub3A_39 {strides = array<i32>} : memref<1000x64xf32, #tpu.memory_space<vmem>>, vector<1000x64xf32>,
    return
  }
  func.func @transform_0(%arg0: i32) -> (i32, i32) {
    %c0_i32 = arith.constant 0 : i32
    %c0_i32_0 = arith.constant 0 : i32
    return %arg0, %c0_i32 : i32, i32
  }
  func.func @transform_1(%arg0: i32) -> (i32, i32, i32) {
    %c0_i32 = arith.constant 0 : i32
    %c0_i32_0 = arith.constant 0 : i32
    %c0_i32_1 = arith.constant 0 : i32
    return %c0_i32, %arg0, %c0_i32_0 : i32, i32, i32
  }
  func.func @transform_2(%arg0: i32) -> (i32, i32, i32) {
    %c1_i32 = arith.constant 1 : i32
    %c0_i32 = arith.constant 0 : i32
    %c0_i32_0 = arith.constant 0 : i32
    return %c1_i32, %arg0, %c0_i32 : i32, i32, i32
  }
  func.func @transform_3(%arg0: i32) -> (i32, i32) {
    %c0_i32 = arith.constant 0 : i32
    %c0_i32_0 = arith.constant 0 : i32
    return %arg0, %c0_i32 : i32, i32
  }
  func.func @transform_4(%arg0: i32) -> (i32, i32) {
    %c0_i32 = arith.constant 0 : i32
    %c0_i32_0 = arith.constant 0 : i32
    %c0_i32_1 = arith.constant 0 : i32
    return %c0_i32, %c0_i32_0 : i32, i32
  }
  func.func @transform_5(%arg0: i32) -> (i32, i32) {
    %c0_i32 = arith.constant 0 : i32
    %c0_i32_0 = arith.constant 0 : i32
    %c0_i32_1 = arith.constant 0 : i32
    return %c0_i32, %c0_i32_0 : i32, i32
  }
  func.func @transform_6(%arg0: i32) -> (i32, i32) {
    %c0_i32 = arith.constant 0 : i32
    %c0_i32_0 = arith.constant 0 : i32
    return %arg0, %c0_i32 : i32, i32
  }
}

</mosaic_0001>

<sc_bundles>
// kernel: kernel.6.cloned.1.call-start
scs
__scs_entry_jumppad:
0x0: {  	(pc) =	sbr.rel $0x88, $3  }
0x1: {  	(tag) =	ssettag $0x0;
	lr =	simm.s32 $0x1  }
0x2: {  	[smem:$0x3F99] =	sst lr;
	_ =	strace $0xD0000000  }
0x3: {  	_ = 	snop  }
0x4: {  	_ = 	snop  }
0x5: {  	_ = 	snop  }
0x6: {  	_ = 	snop  }
0x7: {  	_ = 	snop  }
__scs_overlays_trampoline_lowered:
0x8: {  	[smem:$0x3FA8] =	sst s0  }
0x9: {  	[smem:$0x3FA9] =	sst s1  }
0xa: {  	[smem:$0x3FAA] =	sst s2  }
0xb: {  	[smem:$0x3FAB] =	sst s3  }
0xc: {  	[smem:$0x3FAC] =	sst s4  }
0xd: {  	[smem:$0x3FAD] =	sst s5  }
0xe: {  	[smem:$0x3FAE] =	sst s6  }
0xf: {  	[smem:$0x3FAF] =	sst s7  }
0x10: {  	[smem:$0x3FB0] =	sst s8  }
0x11: {  	[smem:$0x3FB1] =	sst s9;
	s0 =	simm.s32 @!p0 $0x0  }
0x12: {  	s1 =	sld [smem:$0x3F97];
	s0 =	simm.s32 @p0 $0x1  }
0x13: {  	[smem:$0x3FB2] =	sst s0;
	s0 =	simm.s32 @!p1 $0x0  }
0x14: {  	s2 =	sld [smem:$0x3F96];
	s0 =	simm.s32 @p1 $0x1  }
0x15: {  	[smem:$0x3FB3] =	sst s0;
	s0 =	simm.s32 @!p2 $0x0  }
0x16: {  	s3 =	sld [smem:$0x3FDB];
	s0 =	simm.s32 @p2 $0x1  }
0x17: {  	s4 =	simm.s32 $0x1BF5;
	[smem:$0x3FB5] =	sst s0  }
0x18: {  	s0 =	sld [smem:$0x3F98];
	_ =	swait.ge [sflag:s4], $0x0  }
0x19: {  	s7 =	sld [smem:$0x3F99]  }
0x1a: {  	s8 =	sadd.s32 $0xFFFFE003, lr  }
0x1b: {  	s9 =	sadd.s32 $0xFFFFFEF7, lr;
	s5 =	simm.s32 $0xFFFFFFFF;
	p2 =	slt.u32 s8, $0xFFFFF086  }
0x1c: {  	p1 =	slt.u32 s9, $0xF7A;
	s5 =	simm.s32 @!p2 $0x0  }
0x1d: {  	s5 =	simm.s32 @p1 $0x1;
	p0 =	seq.s32 s7, s2  }
0x1e: {  	s7 =	smul.u32 @!p0 $0xF7A, s2;
	p2 =	seq.s32 @!p0 s5, $0x0  }
0x1f: {  	s9 =	smul.u32 $0xF7A, s1;
	s8 =	simm.s32 @!p0 $0x1BF5;
	p2 =	por !p2, p0  }
0x20: {  	[sflag:s8] =	ssyncset.s32 @!p0 $0xFFFFF086;
	s6 =	sadd.s32 @!p0 s3, s7;
	s7 =	simm.s32 @!p0 $0x108  }
0x21: {  	s3 =	sadd.s32 s3, s9;
	s6 =	sadd.s32 @!p0 $0x88, s6;
	s7 =	simm.s32 @p2 $0x1082  }
0x22: {  	[simem:s7], [sflag:s8] =	dma.local @!p0 [hbm:s6], $0xF7A  }
0x23: {  	s9 =	sor.u32 $0xD0000000, s2;
	s6 =	simm.s32 $0x108;
	_ =	swait.ge @!p0 [sflag:s8], $0x0  }
0x24: {  	s3 =	sadd.s32 $0x88, s3;
	s6 =	simm.s32 @!p1 $0x1082;
	[sflag:s4] =	ssyncset.s32 $0xFFFFF086  }
0x25: {  	[simem:s6], [sflag:s4] =	dma.local [hbm:s3], $0xF7A  }
0x26: {  	[smem:$0x3F99] =	sst s1;
	(tag) =	ssettag s2;
	_ =	strace s9  }
0x27: {  	s1 =	sld [smem:$0x3FA9]  }
0x28: {  	s2 =	sld [smem:$0x3FAA]  }
0x29: {  	s4 =	sld [smem:$0x3FAC]  }
0x2a: {  	p0 =	seq.s32 s5, $0x0;
	s5 =	sld [smem:$0x3FAD]  }
0x2b: {  	s6 =	sld [smem:$0x3FAE]  }
0x2c: {  	s7 =	sld [smem:$0x3FAF]  }
0x2d: {  	s3 =	simm.s32 $0x108;
	s8 =	sld [smem:$0x3FB0]  }
0x2e: {  	s3 =	simm.s32 @!p0 $0x1082;
	s9 =	sld [smem:$0x3FB1]  }
0x2f: {  	lr =	sadd.s32 s0, s3;
	s0 =	sld [smem:$0x3FA8]  }
0x30: {  	s3 =	sld [smem:$0x3FAB]  }
0x31: {  	[smem:$0x3FB4] =	sst s10  }
0x32: {  	s10 =	sld [smem:$0x3FB2];
	_ =	sdelay $0x3  }
0x33: {  	p0 =	seq.s32 s10, $0x1;
	s10 =	sld [smem:$0x3FB4];
	_ =	sdelay $0x3  }
0x34: {  	[smem:$0x3FB4] =	sst s10  }
0x35: {  	s10 =	sld [smem:$0x3FB3];
	_ =	sdelay $0x3  }
0x36: {  	p1 =	seq.s32 s10, $0x1;
	s10 =	sld [smem:$0x3FB4];
	_ =	sdelay $0x3  }
0x37: {  	[smem:$0x3FB4] =	sst s10  }
0x38: {  	s10 =	sld [smem:$0x3FB5]  }
0x39: {  	_ = 	snop;
	(pc) =	sbr.ind lr, $3  }
0x3a: {  	_ = 	snop  }
0x3b: {  	_ = 	snop  }
0x3c: {  	p2 =	seq.s32 s10, $0x1;
	s10 =	sld [smem:$0x3FB4]  }
0x3d: {  	_ =	shalt  }
0x3e: {  	_ =	shalt  }
0x3f: {  	_ =	shalt  }
0x40: {  	_ =	shalt  }
0x41: {  	_ =	shalt  }
0x42: {  	_ =	shalt  }
0x43: {  	_ =	shalt  }
0x44: {  	_ =	shalt  }
0x45: {  	_ =	shalt  }
0x46: {  	_ =	shalt  }
0x47: {  	_ =	shalt  }
0x48: {  	_ =	shalt  }
0x49: {  	_ =	shalt  }
0x4a: {  	_ =	shalt  }
0x4b: {  	_ =	shalt  }
0x4c: {  	_ =	shalt  }
0x4d: {  	_ =	shalt  }
0x4e: {  	_ =	shalt  }
0x4f: {  	_ =	shalt  }
0x50: {  	_ =	shalt  }
0x51: {  	_ =	shalt  }
0x52: {  	_ =	shalt  }
0x53: {  	_ =	shalt  }
0x54: {  	_ =	shalt  }
0x55: {  	_ =	shalt  }
0x56: {  	_ =	shalt  }
0x57: {  	_ =	shalt  }
0x58: {  	_ =	shalt  }
0x59: {  	_ =	shalt  }
0x5a: {  	_ =	shalt  }
0x5b: {  	_ =	shalt  }
0x5c: {  	_ =	shalt  }
0x5d: {  	_ =	shalt  }
0x5e: {  	_ =	shalt  }
0x5f: {  	_ =	shalt  }
0x60: {  	_ =	shalt  }
0x61: {  	_ =	shalt  }
0x62: {  	_ =	shalt  }
0x63: {  	_ =	shalt  }
0x64: {  	_ =	shalt  }
0x65: {  	_ =	shalt  }
0x66: {  	_ =	shalt  }
0x67: {  	_ =	shalt  }
0x68: {  	_ =	shalt  }
0x69: {  	_ =	shalt  }
0x6a: {  	_ =	shalt  }
0x6b: {  	_ =	shalt  }
0x6c: {  	_ =	shalt  }
0x6d: {  	_ =	shalt  }
0x6e: {  	_ =	shalt  }
0x6f: {  	_ =	shalt  }
0x70: {  	_ =	shalt  }
0x71: {  	_ =	shalt  }
0x72: {  	_ =	shalt  }
0x73: {  	_ =	shalt  }
0x74: {  	_ =	shalt  }
0x75: {  	_ =	shalt  }
0x76: {  	_ =	shalt  }
0x77: {  	_ =	shalt  }
0x78: {  	_ =	shalt  }
0x79: {  	_ =	shalt  }
0x7a: {  	_ =	shalt  }
0x7b: {  	_ =	shalt  }
0x7c: {  	_ =	shalt  }
0x7d: {  	_ =	shalt  }
0x7e: {  	_ =	shalt  }
0x7f: {  	_ =	shalt  }
0x80: {  	_ =	shalt  }
0x81: {  	_ =	shalt  }
0x82: {  	_ =	shalt  }
0x83: {  	_ =	shalt  }
0x84: {  	_ =	shalt  }
0x85: {  	_ =	shalt  }
0x86: {  	_ =	shalt  }
0x87: {  	_ =	shalt  }
.Lfunc_end0:
.L_simem_size_0:
called_computation_lowered:
.L_overlay_start_0:
0x88: {  	s2 =	sld [smem:$0x3FD9]  }
0x89: {  	s3 =	sld [smem:$0x3FFE];
	_ =	sdelay $0x1  }
0x8a: {  	s1 =	srdreg.scid  }
0x8b: {  	s0 =	sand.u32 $0x1, s1  }
0x8c: {  	s17 =	sshll.u32 s0, $0xA;
	s2 =	sadd.s32 s3, s2  }
0x8d: {  	s2 =	sadd.s32 s2, s17  }
0x8e: {  	[smem:$0x3FC0] =	sst s2  }
0x8f: {  	_ = 	snop  }
0x90: {  	s2 =	sld [smem:$0x3FC9]  }
0x91: {  	s18 =	sld [smem:$0x3FD0];
	(tm) =	ssettm $0x1  }
0x92: {  	s4 =	sld [smem:$0x3FFB];
	_ =	sdelay $0x3  }
0x93: {  	_ =	strace s4  }
0x94: {  	s4 =	sld [smem:$0x3FFC];
	_ =	sdelay $0x3  }
0x95: {  	_ =	strace s4  }
0x96: {  	s4 =	sld [smem:$0x3FFD];
	_ =	sdelay $0x3  }
0x97: {  	_ =	strace s4  }
0x98: {  	_ =	strace $0x8FFFFFFF  }
0x99: {  	s19 =	sld [smem:$0x3FDB];
	_ =	sdelay $0x1  }
0x9a: {  	s5 =	simm.s32 $_scs_section_size  }
0x9b: {  	s6 =	simm.s32 $_size__tile_overlayer_lowered;
	s7 =	simm.s32 $_tile_overlayer_lowered  }
0x9c: {  	s22 =	simm.s32 $0x1BFF;
	s21 =	sshll.u32 s7, $0x1;
	s4 =	sadd.s32 s5, s19  }
0x9d: {  	s8 =	simm.s32 $0x0;
	s20 =	sshll.u32 s6, $0x1;
	s6 =	sadd.s32 s21, s4  }
0x9e: {  	[timem:s8], [sflag:s22] =	dma.local [hbm:s6], s20  }
0x9f: {  	_ =	swait.ge [sflag:s22], s20  }
0xa0: {  	s5 =	ssub.s32 $0x0, s20;
	[sflag:s22] =	ssyncset.done $0x0  }
0xa1: {  	[sflag:s22] =	ssyncadd.s32 s5;
	_ =	sdelay $0x1  }
0xa2: {  	s23 =	simm.s32 $0x1B8B  }
0xa3: {  	_ =	swait.ge [sflag:s23], $0x1  }
0xa4: {  	[sflag:s23] =	ssyncset.done $0x0  }
0xa5: {  	s25 =	simm.s32 $0x1B8E;
	s24 =	sld [smem:$0x3FFE];
	[sflag:s23] =	ssyncadd.s32 $0xFFFFFFFF  }
0xa6: {  	s26 =	simm.s32 $execute0_lowered;
	[smem:$0x3FD2] =	sst s25  }
0xa7: {  	s6 =	sshll.u32 s26, $0x1;
	_ =	strace $0x80000046;
	[dreg:$0x1] =	wrdreg $0xFFFFFFFF  }
0xa8: {  	s28 =	simm.s32 $_size_execute0_lowered;
	s4 =	sadd.s32 s4, s6;
	[dreg:$0x0] =	wrdreg $0x0  }
0xa9: {  	s6 =	sshll.u32 s28, $0x1;
	[dreg:$0x2] =	wrdreg s4  }
0xaa: {  	[dreg:$0x3] =	wrdreg s6  }
0xab: {  	[dreg:$0x4] =	wrdreg $0xC0  }
0xac: {  	_ =	task [dreg:s8], $0x5FFFF  }
0xad: {  	[dreg:$0x1] =	wrdreg $0xFFFFFFFF  }
0xae: {  	[dreg:$0x0] =	wrdreg $0x60  }
0xaf: {  	[dreg:$0x2] =	wrdreg s2  }
0xb0: {  	[dreg:$0x3] =	wrdreg s24  }
0xb1: {  	[dreg:$0x4] =	wrdreg s18  }
0xb2: {  	[dreg:$0x5] =	wrdreg $0x4C000  }
0xb3: {  	[dreg:$0x6] =	wrdreg $0x18C000  }
0xb4: {  	[dreg:$0x7] =	wrdreg $0x9  }
0xb5: {  	_ =	task.clear_ibuf [dreg:s8], $0x8FFFF;
	_ =	strace $0x90000046  }
0xb6: {  	s29 =	simm.s32 $0x9;
	_ =	strace $0x80000048  }
0xb7: {  	_ =	swait.ge [sflag:s29], $0x1  }
0xb8: {  	[sflag:s29] =	ssyncadd.s32 $0xFFFFFFFF  }
0xb9: {  	_ =	strace $0x90000048  }
0xba: {  	_ =	sfence  }
0xbb: {  	s30 =	sld [smem:$0x0];
	_ =	sdelay $0x2  }
0xbc: {  	s31 =	sshll.u32 s1, $0xD;
	s1 =	sshrl.u32 s1, $0x2  }
0xbd: {  	s3 =	sand.u32 $0x4000, s31;
	s1 =	sadd.s32 s1, s30  }
0xbe: {  	s0 =	sor.u32 s3, s0;
	s1 =	sshll.u32 s1, $0x11  }
0xbf: {  	s0 =	sor.u32 s1, s0  }
0xc0: {  	s0 =	sadd.s32 $0x8F2B, s0  }
0xc1: {  	[sflag:s0] =	ssyncadd.remote.s32 $0x1  }
0xc2: {  	_ =	sfence.sel $0xFFFF  }
0xc3: {  	[dreg:$0x0] =	wrdreg $0xFFFFFFFF;
	(pc) =	sbr.abs _section_cstart, $3  }
0xc4: {  	[dreg:$0x1] =	wrdreg $0xFFFFFFFF  }
0xc5: {  	_ =	task.clear_ibuf [dreg:s8], $0x2FFFF;
	_ =	strace $0x9FFFFFFF  }
0xc6: {  	(tm) =	ssettm $0x7FFFFFFF  }
0xc7: {  	_ =	shalt  }
tec
execute0_lowered:
.L_overlay_start_1:
0x0: {  	(tag) =	ssettag $0x1  }
0x1: {  	s1 =	rddreg [dreg:$0x0]  }
0x2: {  	s0 =	rddreg [dreg:$0x1]  }
0x3: {  	s2 =	rddreg [dreg:$0x2];
	s4 =	srdreg.scid  }
0x4: {  	s15 =	stileid.u32;
	s3 =	rddreg [dreg:$0x3];
	s5 =	simm.s32 $0x0  }
0x5: {  	s28 =	simm.s32 $0x200;
	s29 =	simm.s32 $0x600;
	s30 =	simm.s32 $0x280  }
0x6: {  	s6 =	sand.u32 $0x1, s4;
	s7 =	smul.u32 $0x5000, s15;
	s4 =	rddreg [dreg:$0x4]  }
0x7: {  	s31 =	simm.s32 $0x680;
	s9 =	smul.u32 $0x14000, s15;
	[smem:$0x7FF] =	sst s5  }
0x8: {  	s19 =	smul.u32 $0x1400, s15;
	s13 =	sadd.s32 $0x40200, s0;
	s26 =	sshll.u32 s15, $0x6  }
0x9: {  	s15 =	simm.s32 $0x1;
	s8 =	smul.u32 $0x2800, s6;
	_ =	strace $0x80000047  }
0xa: {  	s12 =	smul.u32 $0x140000, s6;
	[dreg:$0x6] =	wrdreg s13;
	s20 =	ssub.s32 $0x2, s6  }
0xb: {  	s6 =	smul.u32 $0x14000, s6;
	s16 =	sor.u32 $0x1C01, s26;
	s26 =	simm.s32 $0x580  }
0xc: {  	s10 =	sshrl.u32 s9, $0x3;
	s11 =	sshrl.u32 s19, $0x3;
	s14 =	sshrl.u32 s20, $0x1  }
0xd: {  	s22 =	sadd.s32 s19, s4;
	s7 =	sadd.s32 s8, s7;
	s10 =	sadd.s32 s10, s0  }
0xe: {  	s11 =	sadd.s32 s11, s0;
	s12 =	sadd.s32 s9, s12;
	s21 =	ssub.s32 s20, s14  }
0xf: {  	s9 =	sadd.s32 s9, s3;
	s6 =	sadd.s32 s19, s6;
	s14 =	simm.s32 $0x4800  }
0x10: {  	s19 =	simm.s32 $0x400;
	s20 =	simm.s32 $0x80;
	s8 =	simm.s32 $0x0  }
0x11: {  	s7 =	sshrl.u32 s7, $0x3;
	s12 =	sshrl.u32 s12, $0x3;
	s10 =	sadd.s32 $0x15A00, s10  }
0x12: {  	s23 =	sadd.s32 $0x3DA00, s11;
	s24 =	sshrl.u32 s6, $0x3;
	s25 =	smax.u32 s21, $0x1  }
0x13: {  	s11 =	sshrl.u32 s9, $0x3;
	s21 =	simm.s32 $0x800;
	[dreg:$0x7] =	wrdreg s10  }
0x14: {  	s6 =	simm.s32 $0x380;
	s7 =	sadd.s32 s7, s0;
	[dreg:$0x8] =	wrdreg s23  }
0x15: {  	s0 =	sadd.s32 s12, s0;
	[dreg:$0xb] =	wrdreg s25;
	s10 =	sshrl.u32 s22, $0x3  }
0x16: {  	s22 =	simm.s32 $0x480;
	s23 =	simm.s32 $0x100;
	s25 =	simm.s32 $0x180  }
0x17: {  	[dreg:$0xc] =	wrdreg s11;
	s0 =	sadd.s32 $0x40400, s0;
	s12 =	sadd.s32 $0x1A00, s7  }
0x18: {  	s13 =	sadd.s32 $0xBA00, s7;
	s7 =	simm.s32 $0x780;
	[dreg:$0xd] =	wrdreg s10  }
0x19: {  	[dreg:$0x9] =	wrdreg s0;
	s0 =	sadd.s32 s2, s24;
	s24 =	simm.s32 $0x500  }
0x1a: {  	s2 =	simm.s32 $0x300;
	[dreg:$0xa] =	wrdreg s0;
	s0 =	simm.s32 $0x700  }
.LBB2_1:
0x1b: {  	s9 =	rddreg [dreg:$0x6]  }
0x1c: {  	[tilespmem:s14], [sflag:$0x1] =	stream.linear.gather [hbm4b:s9+s5], $0x400, $0x38;
	[tilespmem:$0x1A000] =	vst v63  }
0x1d: {  	_ =	swait.ge [sflag:s15], $0x400  }
0x1e: {  	[sflag:s15] =	ssyncset.done $0x0  }
0x1f: {  	s18 =	rddreg [dreg:$0x7];
	[sflag:s15] =	ssyncadd.s32 $0xFFFFFC00  }
0x20: {  	[spmem:s11], [sflag:s16] =	dma.local [hbm:s18], $0x2800  }
0x21: {  	_ =	swait.ge [sflag:s15], $0x2800  }
0x22: {  	[sflag:s15] =	ssyncset.done $0x0  }
0x23: {  	s11 =	rddreg [dreg:$0x8];
	[sflag:s15] =	ssyncadd.s32 $0xFFFFD800  }
0x24: {  	[spmem:s10], [sflag:s16] =	dma.local [hbm:s11], $0x280  }
0x25: {  	_ =	swait.ge [sflag:s15], $0x280  }
0x26: {  	[sflag:s15] =	ssyncset.done $0x0  }
0x27: {  	[sflag:s15] =	ssyncadd.s32 $0xFFFFFD80  }
0x28: {  	s17 =	sadd.s32 $0x0, s13;
	[bflag:$0x0] =	sbarrier.arrive $0xFFFF  }
0x29: {  	[tilespmem:s5], [sflag:$0x1] =	stream.linear.gather [hbm4b:s17+s5], $0x400, $0x38;
	[tilespmem:$0x1A000] =	vst v63  }
0x2a: {  	_ =	swait.ge [sflag:s15], $0x400  }
0x2b: {  	[sflag:s15] =	ssyncset.done $0x0  }
0x2c: {  	s18 =	sadd.s32 $0x0, s12;
	[sflag:s15] =	ssyncadd.s32 $0xFFFFFC00  }
0x2d: {  	[tilespmem:s19], [sflag:$0x1] =	stream.linear.gather [hbm4b:s18+s5], $0x400, $0x38;
	[tilespmem:$0x1A000] =	vst v63  }
0x2e: {  	_ =	swait.ge [sflag:s15], $0x400  }
0x2f: {  	[sflag:s15] =	ssyncset.done $0x0  }
0x30: {  	[sflag:s15] =	ssyncadd.s32 $0xFFFFFC00  }
0x31: {  	[tilespmem:s21], [sflag:$0x1] =	stream.indirect.gather [hbm4b:s1+s20], $0x80, s5, s20, $0xb8;
	[tilespmem:$0x1A000] =	vst v63  }
0x32: {  	_ =	swait.ge [sflag:s15], $0x4000  }
0x33: {  	[sflag:s15] =	ssyncset.done $0x0  }
0x34: {  	[sflag:s15] =	ssyncadd.s32 $0xFFFFC000  }
0x35: {  	[spmem:s3] =	stream.indirect.scatter.add.f32 [tilespmem:s21], [sflag:$0x1], $0x80, s19, s20, $0xb8;
	[tilespmem:$0x1A000] =	vst v63  }
0x36: {  	_ =	swait.ge [sflag:s15], $0x4000  }
0x37: {  	[sflag:s15] =	ssyncset.done $0x0  }
0x38: {  	[sflag:s15] =	ssyncadd.s32 $0xFFFFC000  }
0x39: {  	[spmem:s4] =	stream.indirect.scatter.add.f32 [tilespmem:s14], [sflag:$0x1], $0x8, s19, s20, $0xb8;
	[tilespmem:$0x1A000] =	vst v63  }
0x3a: {  	_ =	swait.ge [sflag:s15], $0x400  }
0x3b: {  	[sflag:s15] =	ssyncset.done $0x0  }
0x3c: {  	[sflag:s15] =	ssyncadd.s32 $0xFFFFFC00  }
0x3d: {  	[tilespmem:s21], [sflag:$0x1] =	stream.indirect.gather [hbm4b:s1+s20], $0x80, s20, s20, $0xb8;
	[tilespmem:$0x1A000] =	vst v63  }
0x3e: {  	_ =	swait.ge [sflag:s15], $0x4000  }
0x3f: {  	[sflag:s15] =	ssyncset.done $0x0  }
0x40: {  	[sflag:s15] =	ssyncadd.s32 $0xFFFFC000  }
0x41: {  	[spmem:s3] =	stream.indirect.scatter.add.f32 [tilespmem:s21], [sflag:$0x1], $0x80, s22, s20, $0xb8;
	[tilespmem:$0x1A000] =	vst v63  }
0x42: {  	_ =	swait.ge [sflag:s15], $0x4000  }
0x43: {  	[sflag:s15] =	ssyncset.done $0x0  }
0x44: {  	[sflag:s15] =	ssyncadd.s32 $0xFFFFC000  }
0x45: {  	[spmem:s4] =	stream.indirect.scatter.add.f32 [tilespmem:s14], [sflag:$0x1], $0x8, s22, s20, $0xb8;
	[tilespmem:$0x1A000] =	vst v63  }
0x46: {  	_ =	swait.ge [sflag:s15], $0x400  }
0x47: {  	[sflag:s15] =	ssyncset.done $0x0  }
0x48: {  	[sflag:s15] =	ssyncadd.s32 $0xFFFFFC00  }
0x49: {  	[tilespmem:s21], [sflag:$0x1] =	stream.indirect.gather [hbm4b:s1+s20], $0x80, s23, s20, $0xb8;
	[tilespmem:$0x1A000] =	vst v63  }
0x4a: {  	_ =	swait.ge [sflag:s15], $0x4000  }
0x4b: {  	[sflag:s15] =	ssyncset.done $0x0  }
0x4c: {  	[sflag:s15] =	ssyncadd.s32 $0xFFFFC000  }
0x4d: {  	[spmem:s3] =	stream.indirect.scatter.add.f32 [tilespmem:s21], [sflag:$0x1], $0x80, s24, s20, $0xb8;
	[tilespmem:$0x1A000] =	vst v63  }
0x4e: {  	_ =	swait.ge [sflag:s15], $0x4000  }
0x4f: {  	[sflag:s15] =	ssyncset.done $0x0  }
0x50: {  	[sflag:s15] =	ssyncadd.s32 $0xFFFFC000  }
0x51: {  	[spmem:s4] =	stream.indirect.scatter.add.f32 [tilespmem:s14], [sflag:$0x1], $0x8, s24, s20, $0xb8;
	[tilespmem:$0x1A000] =	vst v63  }
0x52: {  	_ =	swait.ge [sflag:s15], $0x400  }
0x53: {  	[sflag:s15] =	ssyncset.done $0x0  }
0x54: {  	[sflag:s15] =	ssyncadd.s32 $0xFFFFFC00  }
0x55: {  	[tilespmem:s21], [sflag:$0x1] =	stream.indirect.gather [hbm4b:s1+s20], $0x80, s25, s20, $0xb8;
	[tilespmem:$0x1A000] =	vst v63  }
0x56: {  	_ =	swait.ge [sflag:s15], $0x4000  }
0x57: {  	[sflag:s15] =	ssyncset.done $0x0  }
0x58: {  	[sflag:s15] =	ssyncadd.s32 $0xFFFFC000  }
0x59: {  	[spmem:s3] =	stream.indirect.scatter.add.f32 [tilespmem:s21], [sflag:$0x1], $0x80, s26, s20, $0xb8;
	[tilespmem:$0x1A000] =	vst v63  }
0x5a: {  	_ =	swait.ge [sflag:s15], $0x4000  }
0x5b: {  	[sflag:s15] =	ssyncset.done $0x0  }
0x5c: {  	[sflag:s15] =	ssyncadd.s32 $0xFFFFC000  }
0x5d: {  	[spmem:s4] =	stream.indirect.scatter.add.f32 [tilespmem:s14], [sflag:$0x1], $0x8, s26, s20, $0xb8;
	[tilespmem:$0x1A000] =	vst v63  }
0x5e: {  	_ =	swait.ge [sflag:s15], $0x400  }
0x5f: {  	[sflag:s15] =	ssyncset.done $0x0  }
0x60: {  	[sflag:s15] =	ssyncadd.s32 $0xFFFFFC00  }
0x61: {  	[tilespmem:s21], [sflag:$0x1] =	stream.indirect.gather [hbm4b:s1+s20], $0x80, s28, s20, $0xb8;
	[tilespmem:$0x1A000] =	vst v63  }
0x62: {  	_ =	swait.ge [sflag:s15], $0x4000  }
0x63: {  	[sflag:s15] =	ssyncset.done $0x0  }
0x64: {  	[sflag:s15] =	ssyncadd.s32 $0xFFFFC000  }
0x65: {  	[spmem:s3] =	stream.indirect.scatter.add.f32 [tilespmem:s21], [sflag:$0x1], $0x80, s29, s20, $0xb8;
	[tilespmem:$0x1A000] =	vst v63  }
0x66: {  	_ =	swait.ge [sflag:s15], $0x4000  }
0x67: {  	[sflag:s15] =	ssyncset.done $0x0  }
0x68: {  	[sflag:s15] =	ssyncadd.s32 $0xFFFFC000  }
0x69: {  	[spmem:s4] =	stream.indirect.scatter.add.f32 [tilespmem:s14], [sflag:$0x1], $0x8, s29, s20, $0xb8;
	[tilespmem:$0x1A000] =	vst v63  }
0x6a: {  	_ =	swait.ge [sflag:s15], $0x400  }
0x6b: {  	[sflag:s15] =	ssyncset.done $0x0  }
0x6c: {  	[sflag:s15] =	ssyncadd.s32 $0xFFFFFC00  }
0x6d: {  	[tilespmem:s21], [sflag:$0x1] =	stream.indirect.gather [hbm4b:s1+s20], $0x80, s30, s20, $0xb8;
	[tilespmem:$0x1A000] =	vst v63  }
0x6e: {  	_ =	swait.ge [sflag:s15], $0x4000  }
0x6f: {  	[sflag:s15] =	ssyncset.done $0x0  }
0x70: {  	[sflag:s15] =	ssyncadd.s32 $0xFFFFC000  }
0x71: {  	[spmem:s3] =	stream.indirect.scatter.add.f32 [tilespmem:s21], [sflag:$0x1], $0x80, s31, s20, $0xb8;
	[tilespmem:$0x1A000] =	vst v63  }
0x72: {  	_ =	swait.ge [sflag:s15], $0x4000  }
0x73: {  	[sflag:s15] =	ssyncset.done $0x0  }
0x74: {  	[sflag:s15] =	ssyncadd.s32 $0xFFFFC000  }
0x75: {  	[spmem:s4] =	stream.indirect.scatter.add.f32 [tilespmem:s14], [sflag:$0x1], $0x8, s31, s20, $0xb8;
	[tilespmem:$0x1A000] =	vst v63  }
0x76: {  	_ =	swait.ge [sflag:s15], $0x400  }
0x77: {  	[sflag:s15] =	ssyncset.done $0x0  }
0x78: {  	[sflag:s15] =	ssyncadd.s32 $0xFFFFFC00  }
0x79: {  	[tilespmem:s21], [sflag:$0x1] =	stream.indirect.gather [hbm4b:s1+s20], $0x80, s2, s20, $0xb8;
	[tilespmem:$0x1A000] =	vst v63  }
0x7a: {  	_ =	swait.ge [sflag:s15], $0x4000  }
0x7b: {  	[sflag:s15] =	ssyncset.done $0x0  }
0x7c: {  	[sflag:s15] =	ssyncadd.s32 $0xFFFFC000  }
0x7d: {  	[spmem:s3] =	stream.indirect.scatter.add.f32 [tilespmem:s21], [sflag:$0x1], $0x80, s0, s20, $0xb8;
	[tilespmem:$0x1A000] =	vst v63  }
0x7e: {  	_ =	swait.ge [sflag:s15], $0x4000  }
0x7f: {  	[sflag:s15] =	ssyncset.done $0x0  }
0x80: {  	[sflag:s15] =	ssyncadd.s32 $0xFFFFC000  }
0x81: {  	[spmem:s4] =	stream.indirect.scatter.add.f32 [tilespmem:s14], [sflag:$0x1], $0x8, s0, s20, $0xb8;
	[tilespmem:$0x1A000] =	vst v63  }
0x82: {  	_ =	swait.ge [sflag:s15], $0x400  }
0x83: {  	[sflag:s15] =	ssyncset.done $0x0  }
0x84: {  	[sflag:s15] =	ssyncadd.s32 $0xFFFFFC00  }
0x85: {  	[tilespmem:s21], [sflag:$0x1] =	stream.indirect.gather [hbm4b:s1+s20], $0x80, s6, s20, $0xb8;
	[tilespmem:$0x1A000] =	vst v63  }
0x86: {  	_ =	swait.ge [sflag:s15], $0x4000  }
0x87: {  	[sflag:s15] =	ssyncset.done $0x0  }
0x88: {  	[sflag:s15] =	ssyncadd.s32 $0xFFFFC000  }
0x89: {  	[spmem:s3] =	stream.indirect.scatter.add.f32 [tilespmem:s21], [sflag:$0x1], $0x80, s7, s20, $0xb8;
	[tilespmem:$0x1A000] =	vst v63  }
0x8a: {  	_ =	swait.ge [sflag:s15], $0x4000  }
0x8b: {  	[sflag:s15] =	ssyncset.done $0x0  }
0x8c: {  	[sflag:s15] =	ssyncadd.s32 $0xFFFFC000  }
0x8d: {  	[spmem:s4] =	stream.indirect.scatter.add.f32 [tilespmem:s14], [sflag:$0x1], $0x8, s7, s20, $0xb8;
	[tilespmem:$0x1A000] =	vst v63  }
0x8e: {  	_ =	swait.ge [sflag:s15], $0x400  }
0x8f: {  	s9 =	simm.s32 $0x80;
	s10 =	simm.s32 $0x100;
	[sflag:s15] =	ssyncset.done $0x0  }
.LBB2_2:
0x90: {  	s17 =	sadd.s32 s9, s13  }
0x91: {  	[sflag:s15] =	ssyncadd.s32 $0xFFFFFC00;
	s18 =	smov.u32 s10;
	s11 =	sadd.s32 $0x80, s10  }
0x92: {  	[tilespmem:s5], [sflag:$0x1] =	stream.linear.gather [hbm4b:s17+s5], $0x400, $0x38;
	[tilespmem:$0x1A000] =	vst v63  }
0x93: {  	p0 =	sne.s32 s10, $0x480;
	_ =	swait.ge [sflag:s15], $0x400  }
0x94: {  	[sflag:s15] =	ssyncset.done $0x0  }
0x95: {  	s10 =	sadd.s32 s9, s12;
	s9 =	smov.u32 s18;
	[sflag:s15] =	ssyncadd.s32 $0xFFFFFC00  }
0x96: {  	[tilespmem:s19], [sflag:$0x1] =	stream.linear.gather [hbm4b:s10+s5], $0x400, $0x38;
	[tilespmem:$0x1A000] =	vst v63  }
0x97: {  	_ =	swait.ge [sflag:s15], $0x400  }
0x98: {  	[sflag:s15] =	ssyncset.done $0x0  }
0x99: {  	[sflag:s15] =	ssyncadd.s32 $0xFFFFFC00  }
0x9a: {  	[tilespmem:s21], [sflag:$0x1] =	stream.indirect.gather [hbm4b:s1+s20], $0x80, s5, s20, $0xb8;
	[tilespmem:$0x1A000] =	vst v63  }
0x9b: {  	_ =	swait.ge [sflag:s15], $0x4000  }
0x9c: {  	[sflag:s15] =	ssyncset.done $0x0  }
0x9d: {  	[sflag:s15] =	ssyncadd.s32 $0xFFFFC000  }
0x9e: {  	[spmem:s3] =	stream.indirect.scatter.add.f32 [tilespmem:s21], [sflag:$0x1], $0x80, s19, s20, $0xb8;
	[tilespmem:$0x1A000] =	vst v63  }
0x9f: {  	_ =	swait.ge [sflag:s15], $0x4000  }
0xa0: {  	[sflag:s15] =	ssyncset.done $0x0  }
0xa1: {  	[sflag:s15] =	ssyncadd.s32 $0xFFFFC000  }
0xa2: {  	[spmem:s4] =	stream.indirect.scatter.add.f32 [tilespmem:s14], [sflag:$0x1], $0x8, s19, s20, $0xb8;
	[tilespmem:$0x1A000] =	vst v63  }
0xa3: {  	_ =	swait.ge [sflag:s15], $0x400  }
0xa4: {  	[sflag:s15] =	ssyncset.done $0x0  }
0xa5: {  	[sflag:s15] =	ssyncadd.s32 $0xFFFFFC00  }
0xa6: {  	[tilespmem:s21], [sflag:$0x1] =	stream.indirect.gather [hbm4b:s1+s20], $0x80, s20, s20, $0xb8;
	[tilespmem:$0x1A000] =	vst v63  }
0xa7: {  	_ =	swait.ge [sflag:s15], $0x4000  }
0xa8: {  	[sflag:s15] =	ssyncset.done $0x0  }
0xa9: {  	[sflag:s15] =	ssyncadd.s32 $0xFFFFC000  }
0xaa: {  	[spmem:s3] =	stream.indirect.scatter.add.f32 [tilespmem:s21], [sflag:$0x1], $0x80, s22, s20, $0xb8;
	[tilespmem:$0x1A000] =	vst v63  }
0xab: {  	_ =	swait.ge [sflag:s15], $0x4000  }
0xac: {  	[sflag:s15] =	ssyncset.done $0x0  }
0xad: {  	[sflag:s15] =	ssyncadd.s32 $0xFFFFC000  }
0xae: {  	[spmem:s4] =	stream.indirect.scatter.add.f32 [tilespmem:s14], [sflag:$0x1], $0x8, s22, s20, $0xb8;
	[tilespmem:$0x1A000] =	vst v63  }
0xaf: {  	_ =	swait.ge [sflag:s15], $0x400  }
0xb0: {  	[sflag:s15] =	ssyncset.done $0x0  }
0xb1: {  	[sflag:s15] =	ssyncadd.s32 $0xFFFFFC00  }
0xb2: {  	[tilespmem:s21], [sflag:$0x1] =	stream.indirect.gather [hbm4b:s1+s20], $0x80, s23, s20, $0xb8;
	[tilespmem:$0x1A000] =	vst v63  }
0xb3: {  	_ =	swait.ge [sflag:s15], $0x4000  }
0xb4: {  	[sflag:s15] =	ssyncset.done $0x0  }
0xb5: {  	[sflag:s15] =	ssyncadd.s32 $0xFFFFC000  }
0xb6: {  	[spmem:s3] =	stream.indirect.scatter.add.f32 [tilespmem:s21], [sflag:$0x1], $0x80, s24, s20, $0xb8;
	[tilespmem:$0x1A000] =	vst v63  }
0xb7: {  	_ =	swait.ge [sflag:s15], $0x4000  }
0xb8: {  	[sflag:s15] =	ssyncset.done $0x0  }
0xb9: {  	[sflag:s15] =	ssyncadd.s32 $0xFFFFC000  }
0xba: {  	[spmem:s4] =	stream.indirect.scatter.add.f32 [tilespmem:s14], [sflag:$0x1], $0x8, s24, s20, $0xb8;
	[tilespmem:$0x1A000] =	vst v63  }
0xbb: {  	_ =	swait.ge [sflag:s15], $0x400  }
0xbc: {  	[sflag:s15] =	ssyncset.done $0x0  }
0xbd: {  	[sflag:s15] =	ssyncadd.s32 $0xFFFFFC00  }
0xbe: {  	[tilespmem:s21], [sflag:$0x1] =	stream.indirect.gather [hbm4b:s1+s20], $0x80, s25, s20, $0xb8;
	[tilespmem:$0x1A000] =	vst v63  }
0xbf: {  	_ =	swait.ge [sflag:s15], $0x4000  }
0xc0: {  	[sflag:s15] =	ssyncset.done $0x0  }
0xc1: {  	[sflag:s15] =	ssyncadd.s32 $0xFFFFC000  }
0xc2: {  	[spmem:s3] =	stream.indirect.scatter.add.f32 [tilespmem:s21], [sflag:$0x1], $0x80, s26, s20, $0xb8;
	[tilespmem:$0x1A000] =	vst v63  }
0xc3: {  	_ =	swait.ge [sflag:s15], $0x4000  }
0xc4: {  	[sflag:s15] =	ssyncset.done $0x0  }
0xc5: {  	[sflag:s15] =	ssyncadd.s32 $0xFFFFC000  }
0xc6: {  	[spmem:s4] =	stream.indirect.scatter.add.f32 [tilespmem:s14], [sflag:$0x1], $0x8, s26, s20, $0xb8;
	[tilespmem:$0x1A000] =	vst v63  }
0xc7: {  	_ =	swait.ge [sflag:s15], $0x400  }
0xc8: {  	[sflag:s15] =	ssyncset.done $0x0  }
0xc9: {  	[sflag:s15] =	ssyncadd.s32 $0xFFFFFC00  }
0xca: {  	[tilespmem:s21], [sflag:$0x1] =	stream.indirect.gather [hbm4b:s1+s20], $0x80, s28, s20, $0xb8;
	[tilespmem:$0x1A000] =	vst v63  }
0xcb: {  	_ =	swait.ge [sflag:s15], $0x4000  }
0xcc: {  	[sflag:s15] =	ssyncset.done $0x0  }
0xcd: {  	[sflag:s15] =	ssyncadd.s32 $0xFFFFC000  }
0xce: {  	[spmem:s3] =	stream.indirect.scatter.add.f32 [tilespmem:s21], [sflag:$0x1], $0x80, s29, s20, $0xb8;
	[tilespmem:$0x1A000] =	vst v63  }
0xcf: {  	_ =	swait.ge [sflag:s15], $0x4000  }
0xd0: {  	[sflag:s15] =	ssyncset.done $0x0  }
0xd1: {  	[sflag:s15] =	ssyncadd.s32 $0xFFFFC000  }
0xd2: {  	[spmem:s4] =	stream.indirect.scatter.add.f32 [tilespmem:s14], [sflag:$0x1], $0x8, s29, s20, $0xb8;
	[tilespmem:$0x1A000] =	vst v63  }
0xd3: {  	_ =	swait.ge [sflag:s15], $0x400  }
0xd4: {  	[sflag:s15] =	ssyncset.done $0x0  }
0xd5: {  	[sflag:s15] =	ssyncadd.s32 $0xFFFFFC00  }
0xd6: {  	[tilespmem:s21], [sflag:$0x1] =	stream.indirect.gather [hbm4b:s1+s20], $0x80, s30, s20, $0xb8;
	[tilespmem:$0x1A000] =	vst v63  }
0xd7: {  	_ =	swait.ge [sflag:s15], $0x4000  }
0xd8: {  	[sflag:s15] =	ssyncset.done $0x0  }
0xd9: {  	[sflag:s15] =	ssyncadd.s32 $0xFFFFC000  }
0xda: {  	[spmem:s3] =	stream.indirect.scatter.add.f32 [tilespmem:s21], [sflag:$0x1], $0x80, s31, s20, $0xb8;
	[tilespmem:$0x1A000] =	vst v63  }
0xdb: {  	_ =	swait.ge [sflag:s15], $0x4000  }
0xdc: {  	[sflag:s15] =	ssyncset.done $0x0  }
0xdd: {  	[sflag:s15] =	ssyncadd.s32 $0xFFFFC000  }
0xde: {  	[spmem:s4] =	stream.indirect.scatter.add.f32 [tilespmem:s14], [sflag:$0x1], $0x8, s31, s20, $0xb8;
	[tilespmem:$0x1A000] =	vst v63  }
0xdf: {  	_ =	swait.ge [sflag:s15], $0x400  }
0xe0: {  	[sflag:s15] =	ssyncset.done $0x0  }
0xe1: {  	[sflag:s15] =	ssyncadd.s32 $0xFFFFFC00  }
0xe2: {  	[tilespmem:s21], [sflag:$0x1] =	stream.indirect.gather [hbm4b:s1+s20], $0x80, s2, s20, $0xb8;
	[tilespmem:$0x1A000] =	vst v63  }
0xe3: {  	_ =	swait.ge [sflag:s15], $0x4000  }
0xe4: {  	[sflag:s15] =	ssyncset.done $0x0  }
0xe5: {  	[sflag:s15] =	ssyncadd.s32 $0xFFFFC000  }
0xe6: {  	[spmem:s3] =	stream.indirect.scatter.add.f32 [tilespmem:s21], [sflag:$0x1], $0x80, s0, s20, $0xb8;
	[tilespmem:$0x1A000] =	vst v63  }
0xe7: {  	_ =	swait.ge [sflag:s15], $0x4000  }
0xe8: {  	[sflag:s15] =	ssyncset.done $0x0  }
0xe9: {  	[sflag:s15] =	ssyncadd.s32 $0xFFFFC000  }
0xea: {  	[spmem:s4] =	stream.indirect.scatter.add.f32 [tilespmem:s14], [sflag:$0x1], $0x8, s0, s20, $0xb8;
	[tilespmem:$0x1A000] =	vst v63  }
0xeb: {  	_ =	swait.ge [sflag:s15], $0x400  }
0xec: {  	[sflag:s15] =	ssyncset.done $0x0  }
0xed: {  	[sflag:s15] =	ssyncadd.s32 $0xFFFFFC00  }
0xee: {  	[tilespmem:s21], [sflag:$0x1] =	stream.indirect.gather [hbm4b:s1+s20], $0x80, s6, s20, $0xb8;
	[tilespmem:$0x1A000] =	vst v63  }
0xef: {  	_ =	swait.ge [sflag:s15], $0x4000  }
0xf0: {  	[sflag:s15] =	ssyncset.done $0x0  }
0xf1: {  	[sflag:s15] =	ssyncadd.s32 $0xFFFFC000  }
0xf2: {  	[spmem:s3] =	stream.indirect.scatter.add.f32 [tilespmem:s21], [sflag:$0x1], $0x80, s7, s20, $0xb8;
	[tilespmem:$0x1A000] =	vst v63  }
0xf3: {  	_ =	swait.ge [sflag:s15], $0x4000  }
.Ltmp0:
0xf4: {  	[sflag:s15] =	ssyncset.done $0x0;
	(pc) =	sbr.rel @p0 .LBB2_2-.Ltmp0, $4  }
0xf5: {  	[sflag:s15] =	ssyncadd.s32 $0xFFFFC000  }
0xf6: {  	[spmem:s4] =	stream.indirect.scatter.add.f32 [tilespmem:s14], [sflag:$0x1], $0x8, s7, s20, $0xb8;
	[tilespmem:$0x1A000] =	vst v63  }
0xf7: {  	_ =	swait.ge [sflag:s15], $0x400  }
0xf8: {  	s10 =	smov.u32 s11;
	[sflag:s15] =	ssyncset.done $0x0  }
0xf9: {  	s10 =	sadd.s32 s9, s13;
	[sflag:s15] =	ssyncadd.s32 $0xFFFFFC00  }
0xfa: {  	[tilespmem:s5], [sflag:$0x1] =	stream.linear.gather [hbm4b:s10+s5], $0x400, $0x38;
	[tilespmem:$0x1A000] =	vst v63  }
0xfb: {  	_ =	swait.ge [sflag:s15], $0x400  }
0xfc: {  	[sflag:s15] =	ssyncset.done $0x0  }
0xfd: {  	s18 =	sadd.s32 s9, s12;
	[sflag:s15] =	ssyncadd.s32 $0xFFFFFC00  }
0xfe: {  	[tilespmem:s19], [sflag:$0x1] =	stream.linear.gather [hbm4b:s18+s5], $0x400, $0x38;
	[tilespmem:$0x1A000] =	vst v63  }
0xff: {  	_ =	swait.ge [sflag:s15], $0x400  }
0x100: {  	[sflag:s15] =	ssyncset.done $0x0  }
0x101: {  	[sflag:s15] =	ssyncadd.s32 $0xFFFFFC00  }
0x102: {  	[tilespmem:s21], [sflag:$0x1] =	stream.indirect.gather [hbm4b:s1+s20], $0x80, s5, s20, $0xb8;
	[tilespmem:$0x1A000] =	vst v63  }
0x103: {  	_ =	swait.ge [sflag:s15], $0x4000  }
0x104: {  	[sflag:s15] =	ssyncset.done $0x0  }
0x105: {  	[sflag:s15] =	ssyncadd.s32 $0xFFFFC000  }
0x106: {  	[spmem:s3] =	stream.indirect.scatter.add.f32 [tilespmem:s21], [sflag:$0x1], $0x80, s19, s20, $0xb8;
	[tilespmem:$0x1A000] =	vst v63  }
0x107: {  	_ =	swait.ge [sflag:s15], $0x4000  }
0x108: {  	[sflag:s15] =	ssyncset.done $0x0  }
0x109: {  	[sflag:s15] =	ssyncadd.s32 $0xFFFFC000  }
0x10a: {  	[spmem:s4] =	stream.indirect.scatter.add.f32 [tilespmem:s14], [sflag:$0x1], $0x8, s19, s20, $0xb8;
	[tilespmem:$0x1A000] =	vst v63  }
0x10b: {  	_ =	swait.ge [sflag:s15], $0x400  }
0x10c: {  	[sflag:s15] =	ssyncset.done $0x0  }
0x10d: {  	[sflag:s15] =	ssyncadd.s32 $0xFFFFFC00  }
0x10e: {  	[tilespmem:s21], [sflag:$0x1] =	stream.indirect.gather [hbm4b:s1+s20], $0x80, s20, s20, $0xb8;
	[tilespmem:$0x1A000] =	vst v63  }
0x10f: {  	_ =	swait.ge [sflag:s15], $0x4000  }
0x110: {  	[sflag:s15] =	ssyncset.done $0x0  }
0x111: {  	[sflag:s15] =	ssyncadd.s32 $0xFFFFC000  }
0x112: {  	[spmem:s3] =	stream.indirect.scatter.add.f32 [tilespmem:s21], [sflag:$0x1], $0x80, s22, s20, $0xb8;
	[tilespmem:$0x1A000] =	vst v63  }
0x113: {  	_ =	swait.ge [sflag:s15], $0x4000  }
0x114: {  	[sflag:s15] =	ssyncset.done $0x0  }
0x115: {  	[sflag:s15] =	ssyncadd.s32 $0xFFFFC000  }
0x116: {  	[spmem:s4] =	stream.indirect.scatter.add.f32 [tilespmem:s14], [sflag:$0x1], $0x8, s22, s20, $0xb8;
	[tilespmem:$0x1A000] =	vst v63  }
0x117: {  	_ =	swait.ge [sflag:s15], $0x400  }
0x118: {  	[sflag:s15] =	ssyncset.done $0x0  }
0x119: {  	[sflag:s15] =	ssyncadd.s32 $0xFFFFFC00  }
0x11a: {  	[tilespmem:s21], [sflag:$0x1] =	stream.indirect.gather [hbm4b:s1+s20], $0x80, s23, s20, $0xb8;
	[tilespmem:$0x1A000] =	vst v63  }
0x11b: {  	_ =	swait.ge [sflag:s15], $0x4000  }
0x11c: {  	[sflag:s15] =	ssyncset.done $0x0  }
0x11d: {  	[sflag:s15] =	ssyncadd.s32 $0xFFFFC000  }
0x11e: {  	[spmem:s3] =	stream.indirect.scatter.add.f32 [tilespmem:s21], [sflag:$0x1], $0x80, s24, s20, $0xb8;
	[tilespmem:$0x1A000] =	vst v63  }
0x11f: {  	_ =	swait.ge [sflag:s15], $0x4000  }
0x120: {  	[sflag:s15] =	ssyncset.done $0x0  }
0x121: {  	[sflag:s15] =	ssyncadd.s32 $0xFFFFC000  }
0x122: {  	[spmem:s4] =	stream.indirect.scatter.add.f32 [tilespmem:s14], [sflag:$0x1], $0x8, s24, s20, $0xb8;
	[tilespmem:$0x1A000] =	vst v63  }
0x123: {  	_ =	swait.ge [sflag:s15], $0x400  }
0x124: {  	[sflag:s15] =	ssyncset.done $0x0  }
0x125: {  	[sflag:s15] =	ssyncadd.s32 $0xFFFFFC00  }
0x126: {  	[tilespmem:s21], [sflag:$0x1] =	stream.indirect.gather [hbm4b:s1+s20], $0x80, s25, s20, $0xb8;
	[tilespmem:$0x1A000] =	vst v63  }
0x127: {  	_ =	swait.ge [sflag:s15], $0x4000  }
0x128: {  	[sflag:s15] =	ssyncset.done $0x0  }
0x129: {  	[sflag:s15] =	ssyncadd.s32 $0xFFFFC000  }
0x12a: {  	[spmem:s3] =	stream.indirect.scatter.add.f32 [tilespmem:s21], [sflag:$0x1], $0x80, s26, s20, $0xb8;
	[tilespmem:$0x1A000] =	vst v63  }
0x12b: {  	_ =	swait.ge [sflag:s15], $0x4000  }
0x12c: {  	[sflag:s15] =	ssyncset.done $0x0  }
0x12d: {  	[sflag:s15] =	ssyncadd.s32 $0xFFFFC000  }
0x12e: {  	[spmem:s4] =	stream.indirect.scatter.add.f32 [tilespmem:s14], [sflag:$0x1], $0x8, s26, s20, $0xb8;
	[tilespmem:$0x1A000] =	vst v63  }
0x12f: {  	_ =	swait.ge [sflag:s15], $0x400  }
0x130: {  	[sflag:s15] =	ssyncset.done $0x0  }
0x131: {  	[sflag:s15] =	ssyncadd.s32 $0xFFFFFC00  }
0x132: {  	[tilespmem:s21], [sflag:$0x1] =	stream.indirect.gather [hbm4b:s1+s20], $0x80, s28, s20, $0xb8;
	[tilespmem:$0x1A000] =	vst v63  }
0x133: {  	_ =	swait.ge [sflag:s15], $0x4000  }
0x134: {  	[sflag:s15] =	ssyncset.done $0x0  }
0x135: {  	[sflag:s15] =	ssyncadd.s32 $0xFFFFC000  }
0x136: {  	[spmem:s3] =	stream.indirect.scatter.add.f32 [tilespmem:s21], [sflag:$0x1], $0x80, s29, s20, $0xb8;
	[tilespmem:$0x1A000] =	vst v63  }
0x137: {  	_ =	swait.ge [sflag:s15], $0x4000  }
0x138: {  	[sflag:s15] =	ssyncset.done $0x0  }
0x139: {  	[sflag:s15] =	ssyncadd.s32 $0xFFFFC000  }
0x13a: {  	[spmem:s4] =	stream.indirect.scatter.add.f32 [tilespmem:s14], [sflag:$0x1], $0x8, s29, s20, $0xb8;
	[tilespmem:$0x1A000] =	vst v63  }
0x13b: {  	_ =	swait.ge [sflag:s15], $0x400  }
0x13c: {  	[sflag:s15] =	ssyncset.done $0x0  }
0x13d: {  	[sflag:s15] =	ssyncadd.s32 $0xFFFFFC00  }
0x13e: {  	[tilespmem:s21], [sflag:$0x1] =	stream.indirect.gather [hbm4b:s1+s20], $0x80, s30, s20, $0xb8;
	[tilespmem:$0x1A000] =	vst v63  }
0x13f: {  	_ =	swait.ge [sflag:s15], $0x4000  }
0x140: {  	[sflag:s15] =	ssyncset.done $0x0  }
0x141: {  	[sflag:s15] =	ssyncadd.s32 $0xFFFFC000  }
0x142: {  	[spmem:s3] =	stream.indirect.scatter.add.f32 [tilespmem:s21], [sflag:$0x1], $0x80, s31, s20, $0xb8;
	[tilespmem:$0x1A000] =	vst v63  }
0x143: {  	_ =	swait.ge [sflag:s15], $0x4000  }
0x144: {  	[sflag:s15] =	ssyncset.done $0x0  }
0x145: {  	[sflag:s15] =	ssyncadd.s32 $0xFFFFC000  }
0x146: {  	[spmem:s4] =	stream.indirect.scatter.add.f32 [tilespmem:s14], [sflag:$0x1], $0x8, s31, s20, $0xb8;
	[tilespmem:$0x1A000] =	vst v63  }
0x147: {  	_ =	swait.ge [sflag:s15], $0x400  }
0x148: {  	[sflag:s15] =	ssyncset.done $0x0  }
0x149: {  	[sflag:s15] =	ssyncadd.s32 $0xFFFFFC00  }
0x14a: {  	[tilespmem:s21], [sflag:$0x1] =	stream.indirect.gather [hbm4b:s1+s20], $0x80, s2, s20, $0xb8;
	[tilespmem:$0x1A000] =	vst v63  }
0x14b: {  	_ =	swait.ge [sflag:s15], $0x4000  }
0x14c: {  	[sflag:s15] =	ssyncset.done $0x0  }
0x14d: {  	[sflag:s15] =	ssyncadd.s32 $0xFFFFC000  }
0x14e: {  	[spmem:s3] =	stream.indirect.scatter.add.f32 [tilespmem:s21], [sflag:$0x1], $0x80, s0, s20, $0xb8;
	[tilespmem:$0x1A000] =	vst v63  }
0x14f: {  	_ =	swait.ge [sflag:s15], $0x4000  }
0x150: {  	[sflag:s15] =	ssyncset.done $0x0  }
0x151: {  	[sflag:s15] =	ssyncadd.s32 $0xFFFFC000  }
0x152: {  	[spmem:s4] =	stream.indirect.scatter.add.f32 [tilespmem:s14], [sflag:$0x1], $0x8, s0, s20, $0xb8;
	[tilespmem:$0x1A000] =	vst v63  }
0x153: {  	_ =	swait.ge [sflag:s15], $0x400  }
0x154: {  	[sflag:s15] =	ssyncset.done $0x0  }
0x155: {  	[sflag:s15] =	ssyncadd.s32 $0xFFFFFC00  }
0x156: {  	[tilespmem:s21], [sflag:$0x1] =	stream.indirect.gather [hbm4b:s1+s20], $0x80, s6, s20, $0xb8;
	[tilespmem:$0x1A000] =	vst v63  }
0x157: {  	_ =	swait.ge [sflag:s15], $0x4000  }
0x158: {  	[sflag:s15] =	ssyncset.done $0x0  }
0x159: {  	[sflag:s15] =	ssyncadd.s32 $0xFFFFC000  }
0x15a: {  	[spmem:s3] =	stream.indirect.scatter.add.f32 [tilespmem:s21], [sflag:$0x1], $0x80, s7, s20, $0xb8;
	[tilespmem:$0x1A000] =	vst v63  }
0x15b: {  	_ =	swait.ge [sflag:s15], $0x4000  }
0x15c: {  	[sflag:s15] =	ssyncset.done $0x0  }
0x15d: {  	[sflag:s15] =	ssyncadd.s32 $0xFFFFC000  }
0x15e: {  	[spmem:s4] =	stream.indirect.scatter.add.f32 [tilespmem:s14], [sflag:$0x1], $0x8, s7, s20, $0xb8;
	[tilespmem:$0x1A000] =	vst v63  }
0x15f: {  	_ =	swait.ge [sflag:s15], $0x400  }
0x160: {  	[sflag:s15] =	ssyncset.done $0x0  }
0x161: {  	[sflag:s15] =	ssyncadd.s32 $0xFFFFFC00  }
0x162: {  	[bflag:$0x0] =	sbarrier.arrive $0xFFFF  }
0x163: {  	s10 =	rddreg [dreg:$0x9]  }
0x164: {  	s11 =	rddreg [dreg:$0xc]  }
0x165: {  	[hbm:s10], [sflag:s16] =	dma.local [spmem:s11], $0x2800  }
0x166: {  	_ =	swait.ge [sflag:s15], $0x2800  }
0x167: {  	[sflag:s15] =	ssyncset.done $0x0;
	s17 =	rddreg [dreg:$0xa]  }
0x168: {  	s10 =	rddreg [dreg:$0xd];
	[sflag:s15] =	ssyncadd.s32 $0xFFFFD800  }
0x169: {  	[hbm:s17], [sflag:s16] =	dma.local [spmem:s10], $0x280  }
0x16a: {  	_ =	swait.ge [sflag:s15], $0x280  }
0x16b: {  	s8 =	sadd.s32 $0x1, s8;
	s18 =	rddreg [dreg:$0xb]  }
0x16c: {  	p0 =	sne.s32 s8, s18  }
.Ltmp1:
0x16d: {  	_ = 	snop;
	(pc) =	sbr.rel @p0 .LBB2_1-.Ltmp1, $3  }
0x16e: {  	_ =	sdelay $0x1  }
0x16f: {  	[sflag:s15] =	ssyncset.done $0x0  }
0x170: {  	[sflag:s15] =	ssyncadd.s32 $0xFFFFFD80  }
0x171: {  	_ =	sfence.sel $0x180000  }
0x172: {  	[bflag:$0x0] =	sbarrier.arrive $0xFFFF  }
0x173: {  	_ =	strace $0x90000047  }
0x174: {  	s0 =	stileid.u32;
	[bflag:$0x2] =	sbarrier.arrive $0xFFFF  }
0x175: {  	p0 =	sne.s32 s0, $0x0;
	s0 =	rddreg [dreg:$0x5]  }
0x176: {  	s0 =	sadd.s32 @!p0 $0x100000, s0  }
0x177: {  	[sflag:s0] =	ssyncadd.tile.s32 @!p0 $0x1;
	_ =	shalt  }
.Lfunc_end2:
_tile_overlayer_lowered:
.L_overlay_start_2:
0x178: {  	(tag) =	ssettag $0x2  }
0x179: {  	s0 =	rddreg [dreg:$0x0];
	s2 =	stileid.u32  }
0x17a: {  	s1 =	rddreg [dreg:$0x1];
	p0 =	sne.s32 s2, $0x0  }
0x17b: {  	s3 =	rddreg [dreg:$0x2];
	[bflag:$0x3] =	sbarrier.arrive $0xFFFF;
	s2 =	simm.s32 @!p0 $0x1C01  }
0x17c: {  	[timem:s3], [sflag:s2] =	dma.local @!p0 [hbm:s0], s1  }
0x17d: {  	s0 =	simm.s32 @!p0 $0x1  }
0x17e: {  	_ =	swait.ge @!p0 [sflag:s0], s1  }
0x17f: {  	s1 =	ssub.s32 @!p0 $0x0, s1;
	[sflag:s0] =	ssyncset.done @!p0 $0x0  }
0x180: {  	[sflag:s0] =	ssyncadd.s32 @!p0 s1  }
0x181: {  	[bflag:$0x3] =	sbarrier.arrive $0xFFFF  }
0x182: {  	_ =	shalt  }

// kernel: kernel.9.cloned.1.call-start
scs
__scs_entry_jumppad:
0x0: {  	(pc) =	sbr.rel $0x88, $3  }
0x1: {  	(tag) =	ssettag $0x0;
	lr =	simm.s32 $0x1  }
0x2: {  	[smem:$0x3F99] =	sst lr;
	_ =	strace $0xD0000000  }
0x3: {  	_ = 	snop  }
0x4: {  	_ = 	snop  }
0x5: {  	_ = 	snop  }
0x6: {  	_ = 	snop  }
0x7: {  	_ = 	snop  }
__scs_overlays_trampoline_lowered:
0x8: {  	[smem:$0x3FA8] =	sst s0  }
0x9: {  	[smem:$0x3FA9] =	sst s1  }
0xa: {  	[smem:$0x3FAA] =	sst s2  }
0xb: {  	[smem:$0x3FAB] =	sst s3  }
0xc: {  	[smem:$0x3FAC] =	sst s4  }
0xd: {  	[smem:$0x3FAD] =	sst s5  }
0xe: {  	[smem:$0x3FAE] =	sst s6  }
0xf: {  	[smem:$0x3FAF] =	sst s7  }
0x10: {  	[smem:$0x3FB0] =	sst s8  }
0x11: {  	[smem:$0x3FB1] =	sst s9;
	s0 =	simm.s32 @!p0 $0x0  }
0x12: {  	s1 =	sld [smem:$0x3F97];
	s0 =	simm.s32 @p0 $0x1  }
0x13: {  	[smem:$0x3FB2] =	sst s0;
	s0 =	simm.s32 @!p1 $0x0  }
0x14: {  	s2 =	sld [smem:$0x3F96];
	s0 =	simm.s32 @p1 $0x1  }
0x15: {  	[smem:$0x3FB3] =	sst s0;
	s0 =	simm.s32 @!p2 $0x0  }
0x16: {  	s3 =	sld [smem:$0x3FDB];
	s0 =	simm.s32 @p2 $0x1  }
0x17: {  	s4 =	simm.s32 $0x1BF5;
	[smem:$0x3FB5] =	sst s0  }
0x18: {  	s0 =	sld [smem:$0x3F98];
	_ =	swait.ge [sflag:s4], $0x0  }
0x19: {  	s7 =	sld [smem:$0x3F99]  }
0x1a: {  	s8 =	sadd.s32 $0xFFFFE003, lr  }
0x1b: {  	s9 =	sadd.s32 $0xFFFFFEF7, lr;
	s5 =	simm.s32 $0xFFFFFFFF;
	p2 =	slt.u32 s8, $0xFFFFF086  }
0x1c: {  	p1 =	slt.u32 s9, $0xF7A;
	s5 =	simm.s32 @!p2 $0x0  }
0x1d: {  	s5 =	simm.s32 @p1 $0x1;
	p0 =	seq.s32 s7, s2  }
0x1e: {  	s7 =	smul.u32 @!p0 $0xF7A, s2;
	p2 =	seq.s32 @!p0 s5, $0x0  }
0x1f: {  	s9 =	smul.u32 $0xF7A, s1;
	s8 =	simm.s32 @!p0 $0x1BF5;
	p2 =	por !p2, p0  }
0x20: {  	[sflag:s8] =	ssyncset.s32 @!p0 $0xFFFFF086;
	s6 =	sadd.s32 @!p0 s3, s7;
	s7 =	simm.s32 @!p0 $0x108  }
0x21: {  	s3 =	sadd.s32 s3, s9;
	s6 =	sadd.s32 @!p0 $0x88, s6;
	s7 =	simm.s32 @p2 $0x1082  }
0x22: {  	[simem:s7], [sflag:s8] =	dma.local @!p0 [hbm:s6], $0xF7A  }
0x23: {  	s9 =	sor.u32 $0xD0000000, s2;
	s6 =	simm.s32 $0x108;
	_ =	swait.ge @!p0 [sflag:s8], $0x0  }
0x24: {  	s3 =	sadd.s32 $0x88, s3;
	s6 =	simm.s32 @!p1 $0x1082;
	[sflag:s4] =	ssyncset.s32 $0xFFFFF086  }
0x25: {  	[simem:s6], [sflag:s4] =	dma.local [hbm:s3], $0xF7A  }
0x26: {  	[smem:$0x3F99] =	sst s1;
	(tag) =	ssettag s2;
	_ =	strace s9  }
0x27: {  	s1 =	sld [smem:$0x3FA9]  }
0x28: {  	s2 =	sld [smem:$0x3FAA]  }
0x29: {  	s4 =	sld [smem:$0x3FAC]  }
0x2a: {  	p0 =	seq.s32 s5, $0x0;
	s5 =	sld [smem:$0x3FAD]  }
0x2b: {  	s6 =	sld [smem:$0x3FAE]  }
0x2c: {  	s7 =	sld [smem:$0x3FAF]  }
0x2d: {  	s3 =	simm.s32 $0x108;
	s8 =	sld [smem:$0x3FB0]  }
0x2e: {  	s3 =	simm.s32 @!p0 $0x1082;
	s9 =	sld [smem:$0x3FB1]  }
0x2f: {  	lr =	sadd.s32 s0, s3;
	s0 =	sld [smem:$0x3FA8]  }
0x30: {  	s3 =	sld [smem:$0x3FAB]  }
0x31: {  	[smem:$0x3FB4] =	sst s10  }
0x32: {  	s10 =	sld [smem:$0x3FB2];
	_ =	sdelay $0x3  }
0x33: {  	p0 =	seq.s32 s10, $0x1;
	s10 =	sld [smem:$0x3FB4];
	_ =	sdelay $0x3  }
0x34: {  	[smem:$0x3FB4] =	sst s10  }
0x35: {  	s10 =	sld [smem:$0x3FB3];
	_ =	sdelay $0x3  }
0x36: {  	p1 =	seq.s32 s10, $0x1;
	s10 =	sld [smem:$0x3FB4];
	_ =	sdelay $0x3  }
0x37: {  	[smem:$0x3FB4] =	sst s10  }
0x38: {  	s10 =	sld [smem:$0x3FB5]  }
0x39: {  	_ = 	snop;
	(pc) =	sbr.ind lr, $3  }
0x3a: {  	_ = 	snop  }
0x3b: {  	_ = 	snop  }
0x3c: {  	p2 =	seq.s32 s10, $0x1;
	s10 =	sld [smem:$0x3FB4]  }
0x3d: {  	_ =	shalt  }
0x3e: {  	_ =	shalt  }
0x3f: {  	_ =	shalt  }
0x40: {  	_ =	shalt  }
0x41: {  	_ =	shalt  }
0x42: {  	_ =	shalt  }
0x43: {  	_ =	shalt  }
0x44: {  	_ =	shalt  }
0x45: {  	_ =	shalt  }
0x46: {  	_ =	shalt  }
0x47: {  	_ =	shalt  }
0x48: {  	_ =	shalt  }
0x49: {  	_ =	shalt  }
0x4a: {  	_ =	shalt  }
0x4b: {  	_ =	shalt  }
0x4c: {  	_ =	shalt  }
0x4d: {  	_ =	shalt  }
0x4e: {  	_ =	shalt  }
0x4f: {  	_ =	shalt  }
0x50: {  	_ =	shalt  }
0x51: {  	_ =	shalt  }
0x52: {  	_ =	shalt  }
0x53: {  	_ =	shalt  }
0x54: {  	_ =	shalt  }
0x55: {  	_ =	shalt  }
0x56: {  	_ =	shalt  }
0x57: {  	_ =	shalt  }
0x58: {  	_ =	shalt  }
0x59: {  	_ =	shalt  }
0x5a: {  	_ =	shalt  }
0x5b: {  	_ =	shalt  }
0x5c: {  	_ =	shalt  }
0x5d: {  	_ =	shalt  }
0x5e: {  	_ =	shalt  }
0x5f: {  	_ =	shalt  }
0x60: {  	_ =	shalt  }
0x61: {  	_ =	shalt  }
0x62: {  	_ =	shalt  }
0x63: {  	_ =	shalt  }
0x64: {  	_ =	shalt  }
0x65: {  	_ =	shalt  }
0x66: {  	_ =	shalt  }
0x67: {  	_ =	shalt  }
0x68: {  	_ =	shalt  }
0x69: {  	_ =	shalt  }
0x6a: {  	_ =	shalt  }
0x6b: {  	_ =	shalt  }
0x6c: {  	_ =	shalt  }
0x6d: {  	_ =	shalt  }
0x6e: {  	_ =	shalt  }
0x6f: {  	_ =	shalt  }
0x70: {  	_ =	shalt  }
0x71: {  	_ =	shalt  }
0x72: {  	_ =	shalt  }
0x73: {  	_ =	shalt  }
0x74: {  	_ =	shalt  }
0x75: {  	_ =	shalt  }
0x76: {  	_ =	shalt  }
0x77: {  	_ =	shalt  }
0x78: {  	_ =	shalt  }
0x79: {  	_ =	shalt  }
0x7a: {  	_ =	shalt  }
0x7b: {  	_ =	shalt  }
0x7c: {  	_ =	shalt  }
0x7d: {  	_ =	shalt  }
0x7e: {  	_ =	shalt  }
0x7f: {  	_ =	shalt  }
0x80: {  	_ =	shalt  }
0x81: {  	_ =	shalt  }
0x82: {  	_ =	shalt  }
0x83: {  	_ =	shalt  }
0x84: {  	_ =	shalt  }
0x85: {  	_ =	shalt  }
0x86: {  	_ =	shalt  }
0x87: {  	_ =	shalt  }
.Lfunc_end0:
.L_simem_size_0:
called_computation.1_lowered:
.L_overlay_start_0:
0x88: {  	s2 =	sld [smem:$0x3FD9]  }
0x89: {  	s3 =	sld [smem:$0x3FFE];
	_ =	sdelay $0x1  }
0x8a: {  	s1 =	srdreg.scid  }
0x8b: {  	s0 =	sand.u32 $0x1, s1  }
0x8c: {  	s17 =	sshll.u32 s0, $0xA;
	s2 =	sadd.s32 s3, s2  }
0x8d: {  	s2 =	sadd.s32 s2, s17  }
0x8e: {  	[smem:$0x3FC0] =	sst s2  }
0x8f: {  	_ = 	snop  }
0x90: {  	s2 =	sld [smem:$0x3FD0];
	(tm) =	ssettm $0x1  }
0x91: {  	s18 =	sld [smem:$0x3FFB];
	_ =	sdelay $0x3  }
0x92: {  	_ =	strace s18  }
0x93: {  	s3 =	sld [smem:$0x3FFC];
	_ =	sdelay $0x3  }
0x94: {  	_ =	strace s3  }
0x95: {  	s3 =	sld [smem:$0x3FFD];
	_ =	sdelay $0x3  }
0x96: {  	_ =	strace s3  }
0x97: {  	_ =	strace $0x8FFFFFFF  }
0x98: {  	s19 =	sld [smem:$0x3FDB];
	_ =	sdelay $0x1  }
0x99: {  	s4 =	simm.s32 $_scs_section_size  }
0x9a: {  	s5 =	simm.s32 $_size__tile_overlayer_lowered;
	s6 =	simm.s32 $_tile_overlayer_lowered  }
0x9b: {  	s22 =	simm.s32 $0x1BFF;
	s21 =	sshll.u32 s6, $0x1;
	s3 =	sadd.s32 s4, s19  }
0x9c: {  	s7 =	simm.s32 $0x0;
	s20 =	sshll.u32 s5, $0x1;
	s5 =	sadd.s32 s21, s3  }
0x9d: {  	[timem:s7], [sflag:s22] =	dma.local [hbm:s5], s20  }
0x9e: {  	_ =	swait.ge [sflag:s22], s20  }
0x9f: {  	s4 =	ssub.s32 $0x0, s20;
	[sflag:s22] =	ssyncset.done $0x0  }
0xa0: {  	[sflag:s22] =	ssyncadd.s32 s4;
	_ =	sdelay $0x1  }
0xa1: {  	s23 =	simm.s32 $0x1B8B  }
0xa2: {  	_ =	swait.ge [sflag:s23], $0x1  }
0xa3: {  	[sflag:s23] =	ssyncset.done $0x0  }
0xa4: {  	s25 =	simm.s32 $0x1B8E;
	s24 =	sld [smem:$0x3FFE];
	[sflag:s23] =	ssyncadd.s32 $0xFFFFFFFF  }
0xa5: {  	s26 =	simm.s32 $execute0_lowered;
	[smem:$0x3FD2] =	sst s25  }
0xa6: {  	s5 =	sshll.u32 s26, $0x1;
	_ =	strace $0x80000049;
	[dreg:$0x1] =	wrdreg $0xFFFFFFFF  }
0xa7: {  	s28 =	simm.s32 $_size_execute0_lowered;
	s3 =	sadd.s32 s3, s5;
	[dreg:$0x0] =	wrdreg $0x0  }
0xa8: {  	s5 =	sshll.u32 s28, $0x1;
	[dreg:$0x2] =	wrdreg s3  }
0xa9: {  	[dreg:$0x3] =	wrdreg s5  }
0xaa: {  	[dreg:$0x4] =	wrdreg $0xC0  }
0xab: {  	_ =	task [dreg:s7], $0x5FFFF  }
0xac: {  	[dreg:$0x1] =	wrdreg $0xFFFFFFFF  }
0xad: {  	[dreg:$0x0] =	wrdreg $0x60  }
0xae: {  	[dreg:$0x2] =	wrdreg s2  }
0xaf: {  	[dreg:$0x3] =	wrdreg s24  }
0xb0: {  	[dreg:$0x4] =	wrdreg $0x28000  }
0xb1: {  	[dreg:$0x5] =	wrdreg $0x9  }
0xb2: {  	_ =	task.clear_ibuf [dreg:s7], $0x6FFFF;
	_ =	strace $0x90000049  }
0xb3: {  	s29 =	simm.s32 $0x9;
	_ =	strace $0x8000004B  }
0xb4: {  	_ =	swait.ge [sflag:s29], $0x1  }
0xb5: {  	[sflag:s29] =	ssyncadd.s32 $0xFFFFFFFF  }
0xb6: {  	_ =	strace $0x9000004B  }
0xb7: {  	_ =	sfence  }
0xb8: {  	s30 =	sld [smem:$0x0];
	_ =	sdelay $0x2  }
0xb9: {  	s31 =	sshll.u32 s1, $0xD;
	s1 =	sshrl.u32 s1, $0x2  }
0xba: {  	s3 =	sand.u32 $0x4000, s31;
	s1 =	sadd.s32 s1, s30  }
0xbb: {  	s0 =	sor.u32 s3, s0;
	s1 =	sshll.u32 s1, $0x11  }
0xbc: {  	s0 =	sor.u32 s1, s0  }
0xbd: {  	s0 =	sadd.s32 $0x8F2B, s0  }
0xbe: {  	[sflag:s0] =	ssyncadd.remote.s32 $0x1  }
0xbf: {  	_ =	sfence.sel $0xFFFF  }
0xc0: {  	[dreg:$0x0] =	wrdreg $0xFFFFFFFF;
	(pc) =	sbr.abs _section_cstart, $3  }
0xc1: {  	[dreg:$0x1] =	wrdreg $0xFFFFFFFF  }
0xc2: {  	_ =	task.clear_ibuf [dreg:s7], $0x2FFFF;
	_ =	strace $0x9FFFFFFF  }
0xc3: {  	(tm) =	ssettm $0x7FFFFFFF  }
tec
execute0_lowered:
.L_overlay_start_1:
0x0: {  	(tag) =	ssettag $0x1  }
0x1: {  	s1 =	rddreg [dreg:$0x0]  }
0x2: {  	s0 =	srdreg.scid;
	s2 =	rddreg [dreg:$0x1]  }
0x3: {  	s9 =	stileid.u32;
	s3 =	rddreg [dreg:$0x2]  }
0x4: {  	s4 =	simm.s32 $0x0;
	s12 =	simm.s32 $0x1;
	s13 =	simm.s32 $0x400  }
0x5: {  	s14 =	simm.s32 $0x80;
	s15 =	simm.s32 $0x800;
	s16 =	simm.s32 $0x480  }
0x6: {  	s17 =	simm.s32 $0x100;
	s18 =	simm.s32 $0x500;
	s19 =	simm.s32 $0x180  }
0x7: {  	s20 =	simm.s32 $0x580;
	s21 =	simm.s32 $0x200;
	s22 =	simm.s32 $0x600  }
0x8: {  	s28 =	simm.s32 $0x380;
	s29 =	simm.s32 $0x780;
	s5 =	smul.u32 $0x5000, s9  }
0x9: {  	s30 =	simm.s32 $0x0;
	s0 =	sand.u32 $0x1, s0;
	s7 =	smul.u32 $0xA000, s9  }
0xa: {  	[smem:$0x7FF] =	sst s4;
	s31 =	sshll.u32 s9, $0x6;
	s6 =	smul.u32 $0x2800, s0  }
0xb: {  	s23 =	smul.u32 $0xA0000, s0;
	_ =	strace $0x8000004A;
	s0 =	ssub.s32 $0x2, s0  }
0xc: {  	s25 =	sshrl.u32 s7, $0x3;
	s8 =	sshrl.u32 s0, $0x1;
	s11 =	sadd.s32 s7, s3  }
0xd: {  	s5 =	sadd.s32 s6, s5;
	s24 =	sadd.s32 s7, s23;
	s6 =	sadd.s32 s25, s2  }
0xe: {  	s0 =	ssub.s32 s0, s8;
	s11 =	sshrl.u32 s11, $0x3;
	s23 =	simm.s32 $0x280  }
0xf: {  	s25 =	simm.s32 $0x300;
	s5 =	sshrl.u32 s5, $0x3;
	s26 =	sadd.s32 $0x15A00, s6  }
0x10: {  	s6 =	sor.u32 $0x1C01, s31;
	s10 =	sadd.s32 s5, s2;
	s5 =	sshrl.u32 s24, $0x3  }
0x11: {  	s8 =	smax.u32 s0, $0x1;
	[dreg:$0x4] =	wrdreg s26;
	s2 =	sadd.s32 s5, s2  }
0x12: {  	s24 =	simm.s32 $0x680;
	s26 =	simm.s32 $0x700;
	s2 =	sadd.s32 $0x29A00, s2  }
0x13: {  	s9 =	sadd.s32 $0x1A00, s10;
	s10 =	sadd.s32 $0xBA00, s10;
	[dreg:$0x5] =	wrdreg s2  }
.LBB2_1:
0x14: {  	s0 =	rddreg [dreg:$0x4]  }
0x15: {  	[spmem:s11], [sflag:s6] =	dma.local [hbm:s0], $0x1400  }
0x16: {  	_ =	swait.ge [sflag:s12], $0x1400  }
0x17: {  	[sflag:s12] =	ssyncset.done $0x0  }
0x18: {  	[sflag:s12] =	ssyncadd.s32 $0xFFFFEC00  }
0x19: {  	s5 =	sadd.s32 $0x0, s10;
	[bflag:$0x0] =	sbarrier.arrive $0xFFFF  }
0x1a: {  	[tilespmem:s4], [sflag:$0x1] =	stream.linear.gather [hbm4b:s5+s4], $0x400, $0x38;
	[tilespmem:$0xC800] =	vst v63  }
0x1b: {  	_ =	swait.ge [sflag:s12], $0x400  }
0x1c: {  	[sflag:s12] =	ssyncset.done $0x0  }
0x1d: {  	s7 =	sadd.s32 $0x0, s9;
	[sflag:s12] =	ssyncadd.s32 $0xFFFFFC00  }
0x1e: {  	[tilespmem:s13], [sflag:$0x1] =	stream.linear.gather [hbm4b:s7+s4], $0x400, $0x38;
	[tilespmem:$0xC800] =	vst v63  }
0x1f: {  	_ =	swait.ge [sflag:s12], $0x400  }
0x20: {  	[sflag:s12] =	ssyncset.done $0x0  }
0x21: {  	[sflag:s12] =	ssyncadd.s32 $0xFFFFFC00  }
0x22: {  	[tilespmem:s15], [sflag:$0x1] =	stream.indirect.gather [hbm4b:s1+s14], $0x40, s4, s14, $0xb8;
	[tilespmem:$0xC800] =	vst v63  }
0x23: {  	_ =	swait.ge [sflag:s12], $0x2000  }
0x24: {  	[sflag:s12] =	ssyncset.done $0x0  }
0x25: {  	[sflag:s12] =	ssyncadd.s32 $0xFFFFE000  }
0x26: {  	[spmem:s3] =	stream.indirect.scatter.add.f32 [tilespmem:s15], [sflag:$0x1], $0x40, s13, s14, $0xb8;
	[tilespmem:$0xC800] =	vst v63  }
0x27: {  	_ =	swait.ge [sflag:s12], $0x2000  }
0x28: {  	[sflag:s12] =	ssyncset.done $0x0  }
0x29: {  	[sflag:s12] =	ssyncadd.s32 $0xFFFFE000  }
0x2a: {  	[tilespmem:s15], [sflag:$0x1] =	stream.indirect.gather [hbm4b:s1+s14], $0x40, s14, s14, $0xb8;
	[tilespmem:$0xC800] =	vst v63  }
0x2b: {  	_ =	swait.ge [sflag:s12], $0x2000  }
0x2c: {  	[sflag:s12] =	ssyncset.done $0x0  }
0x2d: {  	[sflag:s12] =	ssyncadd.s32 $0xFFFFE000  }
0x2e: {  	[spmem:s3] =	stream.indirect.scatter.add.f32 [tilespmem:s15], [sflag:$0x1], $0x40, s16, s14, $0xb8;
	[tilespmem:$0xC800] =	vst v63  }
0x2f: {  	_ =	swait.ge [sflag:s12], $0x2000  }
0x30: {  	[sflag:s12] =	ssyncset.done $0x0  }
0x31: {  	[sflag:s12] =	ssyncadd.s32 $0xFFFFE000  }
0x32: {  	[tilespmem:s15], [sflag:$0x1] =	stream.indirect.gather [hbm4b:s1+s14], $0x40, s17, s14, $0xb8;
	[tilespmem:$0xC800] =	vst v63  }
0x33: {  	_ =	swait.ge [sflag:s12], $0x2000  }
0x34: {  	[sflag:s12] =	ssyncset.done $0x0  }
0x35: {  	[sflag:s12] =	ssyncadd.s32 $0xFFFFE000  }
0x36: {  	[spmem:s3] =	stream.indirect.scatter.add.f32 [tilespmem:s15], [sflag:$0x1], $0x40, s18, s14, $0xb8;
	[tilespmem:$0xC800] =	vst v63  }
0x37: {  	_ =	swait.ge [sflag:s12], $0x2000  }
0x38: {  	[sflag:s12] =	ssyncset.done $0x0  }
0x39: {  	[sflag:s12] =	ssyncadd.s32 $0xFFFFE000  }
0x3a: {  	[tilespmem:s15], [sflag:$0x1] =	stream.indirect.gather [hbm4b:s1+s14], $0x40, s19, s14, $0xb8;
	[tilespmem:$0xC800] =	vst v63  }
0x3b: {  	_ =	swait.ge [sflag:s12], $0x2000  }
0x3c: {  	[sflag:s12] =	ssyncset.done $0x0  }
0x3d: {  	[sflag:s12] =	ssyncadd.s32 $0xFFFFE000  }
0x3e: {  	[spmem:s3] =	stream.indirect.scatter.add.f32 [tilespmem:s15], [sflag:$0x1], $0x40, s20, s14, $0xb8;
	[tilespmem:$0xC800] =	vst v63  }
0x3f: {  	_ =	swait.ge [sflag:s12], $0x2000  }
0x40: {  	[sflag:s12] =	ssyncset.done $0x0  }
0x41: {  	[sflag:s12] =	ssyncadd.s32 $0xFFFFE000  }
0x42: {  	[tilespmem:s15], [sflag:$0x1] =	stream.indirect.gather [hbm4b:s1+s14], $0x40, s21, s14, $0xb8;
	[tilespmem:$0xC800] =	vst v63  }
0x43: {  	_ =	swait.ge [sflag:s12], $0x2000  }
0x44: {  	[sflag:s12] =	ssyncset.done $0x0  }
0x45: {  	[sflag:s12] =	ssyncadd.s32 $0xFFFFE000  }
0x46: {  	[spmem:s3] =	stream.indirect.scatter.add.f32 [tilespmem:s15], [sflag:$0x1], $0x40, s22, s14, $0xb8;
	[tilespmem:$0xC800] =	vst v63  }
0x47: {  	_ =	swait.ge [sflag:s12], $0x2000  }
0x48: {  	[sflag:s12] =	ssyncset.done $0x0  }
0x49: {  	[sflag:s12] =	ssyncadd.s32 $0xFFFFE000  }
0x4a: {  	[tilespmem:s15], [sflag:$0x1] =	stream.indirect.gather [hbm4b:s1+s14], $0x40, s23, s14, $0xb8;
	[tilespmem:$0xC800] =	vst v63  }
0x4b: {  	_ =	swait.ge [sflag:s12], $0x2000  }
0x4c: {  	[sflag:s12] =	ssyncset.done $0x0  }
0x4d: {  	[sflag:s12] =	ssyncadd.s32 $0xFFFFE000  }
0x4e: {  	[spmem:s3] =	stream.indirect.scatter.add.f32 [tilespmem:s15], [sflag:$0x1], $0x40, s24, s14, $0xb8;
	[tilespmem:$0xC800] =	vst v63  }
0x4f: {  	_ =	swait.ge [sflag:s12], $0x2000  }
0x50: {  	[sflag:s12] =	ssyncset.done $0x0  }
0x51: {  	[sflag:s12] =	ssyncadd.s32 $0xFFFFE000  }
0x52: {  	[tilespmem:s15], [sflag:$0x1] =	stream.indirect.gather [hbm4b:s1+s14], $0x40, s25, s14, $0xb8;
	[tilespmem:$0xC800] =	vst v63  }
0x53: {  	_ =	swait.ge [sflag:s12], $0x2000  }
0x54: {  	[sflag:s12] =	ssyncset.done $0x0  }
0x55: {  	[sflag:s12] =	ssyncadd.s32 $0xFFFFE000  }
0x56: {  	[spmem:s3] =	stream.indirect.scatter.add.f32 [tilespmem:s15], [sflag:$0x1], $0x40, s26, s14, $0xb8;
	[tilespmem:$0xC800] =	vst v63  }
0x57: {  	_ =	swait.ge [sflag:s12], $0x2000  }
0x58: {  	[sflag:s12] =	ssyncset.done $0x0  }
0x59: {  	[sflag:s12] =	ssyncadd.s32 $0xFFFFE000  }
0x5a: {  	[tilespmem:s15], [sflag:$0x1] =	stream.indirect.gather [hbm4b:s1+s14], $0x40, s28, s14, $0xb8;
	[tilespmem:$0xC800] =	vst v63  }
0x5b: {  	_ =	swait.ge [sflag:s12], $0x2000  }
0x5c: {  	[sflag:s12] =	ssyncset.done $0x0  }
0x5d: {  	[sflag:s12] =	ssyncadd.s32 $0xFFFFE000  }
0x5e: {  	[spmem:s3] =	stream.indirect.scatter.add.f32 [tilespmem:s15], [sflag:$0x1], $0x40, s29, s14, $0xb8;
	[tilespmem:$0xC800] =	vst v63  }
0x5f: {  	_ =	swait.ge [sflag:s12], $0x2000  }
0x60: {  	s31 =	simm.s32 $0x80;
	s2 =	simm.s32 $0x100;
	[sflag:s12] =	ssyncset.done $0x0  }
.LBB2_2:
0x61: {  	s5 =	sadd.s32 s31, s10  }
0x62: {  	[sflag:s12] =	ssyncadd.s32 $0xFFFFE000;
	s7 =	smov.u32 s2;
	s0 =	sadd.s32 $0x80, s2  }
0x63: {  	[tilespmem:s4], [sflag:$0x1] =	stream.linear.gather [hbm4b:s5+s4], $0x400, $0x38;
	[tilespmem:$0xC800] =	vst v63  }
0x64: {  	p0 =	sne.s32 s2, $0x480;
	_ =	swait.ge [sflag:s12], $0x400  }
0x65: {  	[sflag:s12] =	ssyncset.done $0x0  }
0x66: {  	s2 =	sadd.s32 s31, s9;
	s31 =	smov.u32 s7;
	[sflag:s12] =	ssyncadd.s32 $0xFFFFFC00  }
0x67: {  	[tilespmem:s13], [sflag:$0x1] =	stream.linear.gather [hbm4b:s2+s4], $0x400, $0x38;
	[tilespmem:$0xC800] =	vst v63  }
0x68: {  	_ =	swait.ge [sflag:s12], $0x400  }
0x69: {  	[sflag:s12] =	ssyncset.done $0x0  }
0x6a: {  	[sflag:s12] =	ssyncadd.s32 $0xFFFFFC00  }
0x6b: {  	[tilespmem:s15], [sflag:$0x1] =	stream.indirect.gather [hbm4b:s1+s14], $0x40, s4, s14, $0xb8;
	[tilespmem:$0xC800] =	vst v63  }
0x6c: {  	_ =	swait.ge [sflag:s12], $0x2000  }
0x6d: {  	[sflag:s12] =	ssyncset.done $0x0  }
0x6e: {  	[sflag:s12] =	ssyncadd.s32 $0xFFFFE000  }
0x6f: {  	[spmem:s3] =	stream.indirect.scatter.add.f32 [tilespmem:s15], [sflag:$0x1], $0x40, s13, s14, $0xb8;
	[tilespmem:$0xC800] =	vst v63  }
0x70: {  	_ =	swait.ge [sflag:s12], $0x2000  }
0x71: {  	[sflag:s12] =	ssyncset.done $0x0  }
0x72: {  	[sflag:s12] =	ssyncadd.s32 $0xFFFFE000  }
0x73: {  	[tilespmem:s15], [sflag:$0x1] =	stream.indirect.gather [hbm4b:s1+s14], $0x40, s14, s14, $0xb8;
	[tilespmem:$0xC800] =	vst v63  }
0x74: {  	_ =	swait.ge [sflag:s12], $0x2000  }
0x75: {  	[sflag:s12] =	ssyncset.done $0x0  }
0x76: {  	[sflag:s12] =	ssyncadd.s32 $0xFFFFE000  }
0x77: {  	[spmem:s3] =	stream.indirect.scatter.add.f32 [tilespmem:s15], [sflag:$0x1], $0x40, s16, s14, $0xb8;
	[tilespmem:$0xC800] =	vst v63  }
0x78: {  	_ =	swait.ge [sflag:s12], $0x2000  }
0x79: {  	[sflag:s12] =	ssyncset.done $0x0  }
0x7a: {  	[sflag:s12] =	ssyncadd.s32 $0xFFFFE000  }
0x7b: {  	[tilespmem:s15], [sflag:$0x1] =	stream.indirect.gather [hbm4b:s1+s14], $0x40, s17, s14, $0xb8;
	[tilespmem:$0xC800] =	vst v63  }
0x7c: {  	_ =	swait.ge [sflag:s12], $0x2000  }
0x7d: {  	[sflag:s12] =	ssyncset.done $0x0  }
0x7e: {  	[sflag:s12] =	ssyncadd.s32 $0xFFFFE000  }
0x7f: {  	[spmem:s3] =	stream.indirect.scatter.add.f32 [tilespmem:s15], [sflag:$0x1], $0x40, s18, s14, $0xb8;
	[tilespmem:$0xC800] =	vst v63  }
0x80: {  	_ =	swait.ge [sflag:s12], $0x2000  }
0x81: {  	[sflag:s12] =	ssyncset.done $0x0  }
0x82: {  	[sflag:s12] =	ssyncadd.s32 $0xFFFFE000  }
0x83: {  	[tilespmem:s15], [sflag:$0x1] =	stream.indirect.gather [hbm4b:s1+s14], $0x40, s19, s14, $0xb8;
	[tilespmem:$0xC800] =	vst v63  }
0x84: {  	_ =	swait.ge [sflag:s12], $0x2000  }
0x85: {  	[sflag:s12] =	ssyncset.done $0x0  }
0x86: {  	[sflag:s12] =	ssyncadd.s32 $0xFFFFE000  }
0x87: {  	[spmem:s3] =	stream.indirect.scatter.add.f32 [tilespmem:s15], [sflag:$0x1], $0x40, s20, s14, $0xb8;
	[tilespmem:$0xC800] =	vst v63  }
0x88: {  	_ =	swait.ge [sflag:s12], $0x2000  }
0x89: {  	[sflag:s12] =	ssyncset.done $0x0  }
0x8a: {  	[sflag:s12] =	ssyncadd.s32 $0xFFFFE000  }
0x8b: {  	[tilespmem:s15], [sflag:$0x1] =	stream.indirect.gather [hbm4b:s1+s14], $0x40, s21, s14, $0xb8;
	[tilespmem:$0xC800] =	vst v63  }
0x8c: {  	_ =	swait.ge [sflag:s12], $0x2000  }
0x8d: {  	[sflag:s12] =	ssyncset.done $0x0  }
0x8e: {  	[sflag:s12] =	ssyncadd.s32 $0xFFFFE000  }
0x8f: {  	[spmem:s3] =	stream.indirect.scatter.add.f32 [tilespmem:s15], [sflag:$0x1], $0x40, s22, s14, $0xb8;
	[tilespmem:$0xC800] =	vst v63  }
0x90: {  	_ =	swait.ge [sflag:s12], $0x2000  }
0x91: {  	[sflag:s12] =	ssyncset.done $0x0  }
0x92: {  	[sflag:s12] =	ssyncadd.s32 $0xFFFFE000  }
0x93: {  	[tilespmem:s15], [sflag:$0x1] =	stream.indirect.gather [hbm4b:s1+s14], $0x40, s23, s14, $0xb8;
	[tilespmem:$0xC800] =	vst v63  }
0x94: {  	_ =	swait.ge [sflag:s12], $0x2000  }
0x95: {  	[sflag:s12] =	ssyncset.done $0x0  }
0x96: {  	[sflag:s12] =	ssyncadd.s32 $0xFFFFE000  }
0x97: {  	[spmem:s3] =	stream.indirect.scatter.add.f32 [tilespmem:s15], [sflag:$0x1], $0x40, s24, s14, $0xb8;
	[tilespmem:$0xC800] =	vst v63  }
0x98: {  	_ =	swait.ge [sflag:s12], $0x2000  }
0x99: {  	[sflag:s12] =	ssyncset.done $0x0  }
0x9a: {  	[sflag:s12] =	ssyncadd.s32 $0xFFFFE000  }
0x9b: {  	[tilespmem:s15], [sflag:$0x1] =	stream.indirect.gather [hbm4b:s1+s14], $0x40, s25, s14, $0xb8;
	[tilespmem:$0xC800] =	vst v63  }
0x9c: {  	_ =	swait.ge [sflag:s12], $0x2000  }
0x9d: {  	[sflag:s12] =	ssyncset.done $0x0  }
0x9e: {  	[sflag:s12] =	ssyncadd.s32 $0xFFFFE000  }
0x9f: {  	[spmem:s3] =	stream.indirect.scatter.add.f32 [tilespmem:s15], [sflag:$0x1], $0x40, s26, s14, $0xb8;
	[tilespmem:$0xC800] =	vst v63  }
0xa0: {  	_ =	swait.ge [sflag:s12], $0x2000  }
0xa1: {  	[sflag:s12] =	ssyncset.done $0x0  }
0xa2: {  	[sflag:s12] =	ssyncadd.s32 $0xFFFFE000  }
0xa3: {  	[tilespmem:s15], [sflag:$0x1] =	stream.indirect.gather [hbm4b:s1+s14], $0x40, s28, s14, $0xb8;
	[tilespmem:$0xC800] =	vst v63  }
0xa4: {  	_ =	swait.ge [sflag:s12], $0x2000  }
.Ltmp0:
0xa5: {  	[sflag:s12] =	ssyncset.done $0x0;
	(pc) =	sbr.rel @p0 .LBB2_2-.Ltmp0, $4  }
0xa6: {  	[sflag:s12] =	ssyncadd.s32 $0xFFFFE000  }
0xa7: {  	[spmem:s3] =	stream.indirect.scatter.add.f32 [tilespmem:s15], [sflag:$0x1], $0x40, s29, s14, $0xb8;
	[tilespmem:$0xC800] =	vst v63  }
0xa8: {  	_ =	swait.ge [sflag:s12], $0x2000  }
0xa9: {  	s2 =	smov.u32 s0;
	[sflag:s12] =	ssyncset.done $0x0  }
0xaa: {  	s0 =	sadd.s32 s31, s10;
	[sflag:s12] =	ssyncadd.s32 $0xFFFFE000  }
0xab: {  	[tilespmem:s4], [sflag:$0x1] =	stream.linear.gather [hbm4b:s0+s4], $0x400, $0x38;
	[tilespmem:$0xC800] =	vst v63  }
0xac: {  	_ =	swait.ge [sflag:s12], $0x400  }
0xad: {  	[sflag:s12] =	ssyncset.done $0x0  }
0xae: {  	s7 =	sadd.s32 s31, s9;
	[sflag:s12] =	ssyncadd.s32 $0xFFFFFC00  }
0xaf: {  	[tilespmem:s13], [sflag:$0x1] =	stream.linear.gather [hbm4b:s7+s4], $0x400, $0x38;
	[tilespmem:$0xC800] =	vst v63  }
0xb0: {  	_ =	swait.ge [sflag:s12], $0x400  }
0xb1: {  	[sflag:s12] =	ssyncset.done $0x0  }
0xb2: {  	[sflag:s12] =	ssyncadd.s32 $0xFFFFFC00  }
0xb3: {  	[tilespmem:s15], [sflag:$0x1] =	stream.indirect.gather [hbm4b:s1+s14], $0x40, s4, s14, $0xb8;
	[tilespmem:$0xC800] =	vst v63  }
0xb4: {  	_ =	swait.ge [sflag:s12], $0x2000  }
0xb5: {  	[sflag:s12] =	ssyncset.done $0x0  }
0xb6: {  	[sflag:s12] =	ssyncadd.s32 $0xFFFFE000  }
0xb7: {  	[spmem:s3] =	stream.indirect.scatter.add.f32 [tilespmem:s15], [sflag:$0x1], $0x40, s13, s14, $0xb8;
	[tilespmem:$0xC800] =	vst v63  }
0xb8: {  	_ =	swait.ge [sflag:s12], $0x2000  }
0xb9: {  	[sflag:s12] =	ssyncset.done $0x0  }
0xba: {  	[sflag:s12] =	ssyncadd.s32 $0xFFFFE000  }
0xbb: {  	[tilespmem:s15], [sflag:$0x1] =	stream.indirect.gather [hbm4b:s1+s14], $0x40, s14, s14, $0xb8;
	[tilespmem:$0xC800] =	vst v63  }
0xbc: {  	_ =	swait.ge [sflag:s12], $0x2000  }
0xbd: {  	[sflag:s12] =	ssyncset.done $0x0  }
0xbe: {  	[sflag:s12] =	ssyncadd.s32 $0xFFFFE000  }
0xbf: {  	[spmem:s3] =	stream.indirect.scatter.add.f32 [tilespmem:s15], [sflag:$0x1], $0x40, s16, s14, $0xb8;
	[tilespmem:$0xC800] =	vst v63  }
0xc0: {  	_ =	swait.ge [sflag:s12], $0x2000  }
0xc1: {  	[sflag:s12] =	ssyncset.done $0x0  }
0xc2: {  	[sflag:s12] =	ssyncadd.s32 $0xFFFFE000  }
0xc3: {  	[tilespmem:s15], [sflag:$0x1] =	stream.indirect.gather [hbm4b:s1+s14], $0x40, s17, s14, $0xb8;
	[tilespmem:$0xC800] =	vst v63  }
0xc4: {  	_ =	swait.ge [sflag:s12], $0x2000  }
0xc5: {  	[sflag:s12] =	ssyncset.done $0x0  }
0xc6: {  	[sflag:s12] =	ssyncadd.s32 $0xFFFFE000  }
0xc7: {  	[spmem:s3] =	stream.indirect.scatter.add.f32 [tilespmem:s15], [sflag:$0x1], $0x40, s18, s14, $0xb8;
	[tilespmem:$0xC800] =	vst v63  }
0xc8: {  	_ =	swait.ge [sflag:s12], $0x2000  }
0xc9: {  	[sflag:s12] =	ssyncset.done $0x0  }
0xca: {  	[sflag:s12] =	ssyncadd.s32 $0xFFFFE000  }
0xcb: {  	[tilespmem:s15], [sflag:$0x1] =	stream.indirect.gather [hbm4b:s1+s14], $0x40, s19, s14, $0xb8;
	[tilespmem:$0xC800] =	vst v63  }
0xcc: {  	_ =	swait.ge [sflag:s12], $0x2000  }
0xcd: {  	[sflag:s12] =	ssyncset.done $0x0  }
0xce: {  	[sflag:s12] =	ssyncadd.s32 $0xFFFFE000  }
0xcf: {  	[spmem:s3] =	stream.indirect.scatter.add.f32 [tilespmem:s15], [sflag:$0x1], $0x40, s20, s14, $0xb8;
	[tilespmem:$0xC800] =	vst v63  }
0xd0: {  	_ =	swait.ge [sflag:s12], $0x2000  }
0xd1: {  	[sflag:s12] =	ssyncset.done $0x0  }
0xd2: {  	[sflag:s12] =	ssyncadd.s32 $0xFFFFE000  }
0xd3: {  	[tilespmem:s15], [sflag:$0x1] =	stream.indirect.gather [hbm4b:s1+s14], $0x40, s21, s14, $0xb8;
	[tilespmem:$0xC800] =	vst v63  }
0xd4: {  	_ =	swait.ge [sflag:s12], $0x2000  }
0xd5: {  	[sflag:s12] =	ssyncset.done $0x0  }
0xd6: {  	[sflag:s12] =	ssyncadd.s32 $0xFFFFE000  }
0xd7: {  	[spmem:s3] =	stream.indirect.scatter.add.f32 [tilespmem:s15], [sflag:$0x1], $0x40, s22, s14, $0xb8;
	[tilespmem:$0xC800] =	vst v63  }
0xd8: {  	_ =	swait.ge [sflag:s12], $0x2000  }
0xd9: {  	[sflag:s12] =	ssyncset.done $0x0  }
0xda: {  	[sflag:s12] =	ssyncadd.s32 $0xFFFFE000  }
0xdb: {  	[tilespmem:s15], [sflag:$0x1] =	stream.indirect.gather [hbm4b:s1+s14], $0x40, s23, s14, $0xb8;
	[tilespmem:$0xC800] =	vst v63  }
0xdc: {  	_ =	swait.ge [sflag:s12], $0x2000  }
0xdd: {  	[sflag:s12] =	ssyncset.done $0x0  }
0xde: {  	[sflag:s12] =	ssyncadd.s32 $0xFFFFE000  }
0xdf: {  	[spmem:s3] =	stream.indirect.scatter.add.f32 [tilespmem:s15], [sflag:$0x1], $0x40, s24, s14, $0xb8;
	[tilespmem:$0xC800] =	vst v63  }
0xe0: {  	_ =	swait.ge [sflag:s12], $0x2000  }
0xe1: {  	[sflag:s12] =	ssyncset.done $0x0  }
0xe2: {  	[sflag:s12] =	ssyncadd.s32 $0xFFFFE000  }
0xe3: {  	[tilespmem:s15], [sflag:$0x1] =	stream.indirect.gather [hbm4b:s1+s14], $0x40, s25, s14, $0xb8;
	[tilespmem:$0xC800] =	vst v63  }
0xe4: {  	_ =	swait.ge [sflag:s12], $0x2000  }
0xe5: {  	[sflag:s12] =	ssyncset.done $0x0  }
0xe6: {  	[sflag:s12] =	ssyncadd.s32 $0xFFFFE000  }
0xe7: {  	[spmem:s3] =	stream.indirect.scatter.add.f32 [tilespmem:s15], [sflag:$0x1], $0x40, s26, s14, $0xb8;
	[tilespmem:$0xC800] =	vst v63  }
0xe8: {  	_ =	swait.ge [sflag:s12], $0x2000  }
0xe9: {  	[sflag:s12] =	ssyncset.done $0x0  }
0xea: {  	[sflag:s12] =	ssyncadd.s32 $0xFFFFE000  }
0xeb: {  	[tilespmem:s15], [sflag:$0x1] =	stream.indirect.gather [hbm4b:s1+s14], $0x40, s28, s14, $0xb8;
	[tilespmem:$0xC800] =	vst v63  }
0xec: {  	_ =	swait.ge [sflag:s12], $0x2000  }
0xed: {  	[sflag:s12] =	ssyncset.done $0x0  }
0xee: {  	[sflag:s12] =	ssyncadd.s32 $0xFFFFE000  }
0xef: {  	[spmem:s3] =	stream.indirect.scatter.add.f32 [tilespmem:s15], [sflag:$0x1], $0x40, s29, s14, $0xb8;
	[tilespmem:$0xC800] =	vst v63  }
0xf0: {  	_ =	swait.ge [sflag:s12], $0x2000  }
0xf1: {  	[sflag:s12] =	ssyncset.done $0x0  }
0xf2: {  	s30 =	sadd.s32 $0x1, s30;
	[sflag:s12] =	ssyncadd.s32 $0xFFFFE000  }
0xf3: {  	p0 =	sne.s32 s30, s8;
	[bflag:$0x0] =	sbarrier.arrive $0xFFFF  }
.Ltmp1:
0xf4: {  	s31 =	rddreg [dreg:$0x5];
	(pc) =	sbr.rel @p0 .LBB2_1-.Ltmp1, $4  }
0xf5: {  	[hbm:s31], [sflag:s6] =	dma.local [spmem:s11], $0x1400  }
0xf6: {  	_ =	swait.ge [sflag:s12], $0x1400  }
0xf7: {  	[sflag:s12] =	ssyncset.done $0x0  }
0xf8: {  	[sflag:s12] =	ssyncadd.s32 $0xFFFFEC00  }
0xf9: {  	_ =	sfence.sel $0x180000  }
0xfa: {  	[bflag:$0x0] =	sbarrier.arrive $0xFFFF  }
0xfb: {  	_ =	strace $0x9000004A  }
0xfc: {  	s0 =	stileid.u32;
	[bflag:$0x2] =	sbarrier.arrive $0xFFFF  }
0xfd: {  	p0 =	sne.s32 s0, $0x0;
	s0 =	rddreg [dreg:$0x3]  }
0xfe: {  	s0 =	sadd.s32 @!p0 $0x100000, s0  }
0xff: {  	[sflag:s0] =	ssyncadd.tile.s32 @!p0 $0x1;
	_ =	shalt  }
.Lfunc_end2:
_tile_overlayer_lowered:
.L_overlay_start_2:
0x100: {  	(tag) =	ssettag $0x2  }
0x101: {  	s0 =	rddreg [dreg:$0x0];
	s2 =	stileid.u32  }
0x102: {  	s1 =	rddreg [dreg:$0x1];
	p0 =	sne.s32 s2, $0x0  }
0x103: {  	s3 =	rddreg [dreg:$0x2];
	[bflag:$0x3] =	sbarrier.arrive $0xFFFF;
	s2 =	simm.s32 @!p0 $0x1C01  }
0x104: {  	[timem:s3], [sflag:s2] =	dma.local @!p0 [hbm:s0], s1  }
0x105: {  	s0 =	simm.s32 @!p0 $0x1  }
0x106: {  	_ =	swait.ge @!p0 [sflag:s0], s1  }
0x107: {  	s1 =	ssub.s32 @!p0 $0x0, s1;
	[sflag:s0] =	ssyncset.done @!p0 $0x0  }
0x108: {  	[sflag:s0] =	ssyncadd.s32 @!p0 s1  }
0x109: {  	[bflag:$0x3] =	sbarrier.arrive $0xFFFF  }
0x10a: {  	_ =	shalt  }

</sc_bundles>
